<compile_context>
chip_gen: v7x
topology: tpu7x:2x2x1
jax: 0.10.2.dev20260603
libtpu: 0.0.44.dev20260713+nightly
codegen_flags: <defaults>
</compile_context>

<pallas_src>
import functools

import jax
import jax.numpy as jnp
from jax import lax
from jax.experimental import pallas as pl
from jax.experimental.pallas import tpu as pltpu
from jax.experimental.pallas import tpu_sc as plsc

_NC = 2
_NS = 16
_NW = _NC * _NS
_IDXW = 128
_NBUF = 8


def _make_embed(n_idx_rows_per_w, dim):
    mesh = plsc.VectorSubcoreMesh(core_axis_name="c", subcore_axis_name="s")
    b_per_w = n_idx_rows_per_w * _IDXW
    total_rows = b_per_w * _NW

    @functools.partial(
        pl.kernel,
        out_type=jax.ShapeDtypeStruct((total_rows, 128), jnp.float32),
        mesh=mesh,
        compiler_params=pltpu.CompilerParams(use_tc_tiling_on_sc=False),
        scratch_types=[
            pltpu.VMEM((n_idx_rows_per_w, _IDXW), jnp.int32),
            pltpu.VMEM((_NBUF, _IDXW, dim), jnp.float32),
        ]
        + [pltpu.SemaphoreType.DMA] * _NBUF,
    )
    def embed(table_hbm, ids_hbm, out_hbm, idx_v, rows_v, *sems):
        wid = lax.axis_index("s") * _NC + lax.axis_index("c")
        pltpu.sync_copy(
            ids_hbm.at[pl.ds(wid * n_idx_rows_per_w, n_idx_rows_per_w)], idx_v
        )
        out_base = wid * b_per_w

        def fire(row, b):
            pltpu.async_copy(table_hbm.at[idx_v.at[row]], rows_v.at[b], sems[b])

        def drain(b):
            pltpu.make_async_copy(
                table_hbm.at[pl.ds(0, _IDXW)], rows_v.at[b], sems[b]
            ).wait()

        for b in range(_NBUF):
            fire(b, b)

        def step(it, carry):
            gg = it * _NBUF
            for b in range(_NBUF):
                g = gg + b
                drain(b)
                pltpu.sync_copy(
                    rows_v.at[b],
                    out_hbm.at[pl.ds(out_base + g * _IDXW, _IDXW)].at[:, pl.ds(0, dim)],
                )
                fire(g + _NBUF, b)
            return carry

        n_full = n_idx_rows_per_w // _NBUF - 1
        lax.fori_loop(0, n_full, step, 0)

        tail = (n_idx_rows_per_w // _NBUF - 1) * _NBUF
        for b in range(_NBUF):
            g = tail + b
            drain(b)
            pltpu.sync_copy(
                rows_v.at[b],
                out_hbm.at[pl.ds(out_base + g * _IDXW, _IDXW)].at[:, pl.ds(0, dim)],
            )

    return embed


def kernel(ids, table):
    orig_shape = ids.shape
    dim = table.shape[1]
    b = ids.size
    assert b % (_NW * _IDXW) == 0
    n_idx_rows_per_w = b // (_NW * _IDXW)
    assert n_idx_rows_per_w % _NBUF == 0
    ids_flat = ids.reshape(_NW * n_idx_rows_per_w, _IDXW)
    embed = _make_embed(n_idx_rows_per_w, dim)
    out = embed(table, ids_flat)
    return out[:, :dim].reshape(*orig_shape, dim)

# --- scband reference (transcript-rebuilt; emitter-appended) ---
"""Pipeline reference for scband-token-embedder-16149077033082 (READ-ONLY COPY).

The authoritative reference and input builder live on the scoring server;
editing this copy changes nothing except your own understanding.
"""

import jax, jax.numpy as jnp
import numpy as np

VOCAB = 1000000
DIM = 32
PAD = 0


def setup_inputs(seed: int = 0) -> dict:
    key = jax.random.key(seed)
    k_ids, k_tab = jax.random.split(key)
    ids = jax.random.randint(k_ids, (4096, 200), 0, VOCAB, dtype=jnp.int32)
    table = jax.random.normal(k_tab, (VOCAB, DIM), dtype=jnp.float32)
    # nn.Embedding with padding_idx zeros that row at init
    table = table.at[PAD].set(0.0)
    return {"ids": ids, "table": table}


def reference(ids, table):
    # Faithful translation of nn.Embedding forward: row gather
    return jnp.take(table, ids, axis=0)

if __name__ == "__main__":
    import jax
    _d = setup_inputs()
    print(jax.jit(kernel)(*tuple(_d.values())))

</pallas_src>

<mosaic_0001>
#map = affine_map<(d0, d1) -> (0, 0)>
module attributes {stable_mosaic.version = 14 : i64} {
  func.func @embed(%arg0: i32, %arg1: i32, %arg2: memref<1000000x32xf32, #tpu.memory_space<hbm>>, %arg3: memref<6400x128xi32, #tpu.memory_space<hbm>>, %arg4: memref<819200x128xf32, #tpu.memory_space<hbm>>, %arg5: memref<200x128xi32, #tpu.memory_space<vmem>>, %arg6: memref<8x128x32xf32, #tpu.memory_space<vmem>>, %arg7: memref<!tpu.dma_semaphore, #tpu.memory_space<semaphore_mem>>, %arg8: memref<!tpu.dma_semaphore, #tpu.memory_space<semaphore_mem>>, %arg9: memref<!tpu.dma_semaphore, #tpu.memory_space<semaphore_mem>>, %arg10: memref<!tpu.dma_semaphore, #tpu.memory_space<semaphore_mem>>, %arg11: memref<!tpu.dma_semaphore, #tpu.memory_space<semaphore_mem>>, %arg12: memref<!tpu.dma_semaphore, #tpu.memory_space<semaphore_mem>>, %arg13: memref<!tpu.dma_semaphore, #tpu.memory_space<semaphore_mem>>, %arg14: memref<!tpu.dma_semaphore, #tpu.memory_space<semaphore_mem>>) attributes {dimension_semantics = [#tpu.dimension_semantics<core_parallel>, #tpu.dimension_semantics<subcore_parallel>], iteration_bounds = array<i64: 2, 16>, scalar_prefetch = 0 : i64, scratch_operands = 10 : i64, tpu.core_type = #tpu.core_type<sc_vector_subcore>, window_params = [{transform_indices = #map}, {transform_indices = #map}, {transform_indices = #map}]} {
    %mul3A = arith.constant 2 : i32
    %mul3A_0 = arith.muli %arg1, %mul3A : i32
    %add3A = arith.addi %mul3A_0, %arg0 : i32
    %mul3A_1 = arith.constant 200 : i32
    %mul3A_2 = arith.muli %add3A, %mul3A_1 : i32
    "tpu.region"() ({
      %run_scoped3A_247 = tpu.sem_alloc : memref<!tpu.dma_semaphore, #tpu.memory_space<semaphore_mem>>
      %dma_start3A_248 = arith.constant 0 : i32
      %dma_start3A_249 = tpu.memref_slice %arg3[%mul3A_2, %dma_start3A_248] : memref<6400x128xi32, #tpu.memory_space<hbm>> -> memref<200x128xi32, #tpu.memory_space<hbm>>
      %dma_start3A_250 = arith.constant 0 : i32
      %dma_start3A_251 = tpu.memref_slice %arg3[%mul3A_2, %dma_start3A_250] : memref<6400x128xi32, #tpu.memory_space<hbm>> -> memref<200x128xi32, #tpu.memory_space<hbm>>
      tpu.enqueue_dma source(%dma_start3A_251 : memref<200x128xi32, #tpu.memory_space<hbm>>) target(%arg5 : memref<200x128xi32, #tpu.memory_space<vmem>>) target_semaphore(%run_scoped3A_247 : memref<!tpu.dma_semaphore, #tpu.memory_space<semaphore_mem>>)
      %dma_wait3A_252 = arith.constant 0 : i32
      %dma_wait3A_253 = tpu.memref_slice %arg3[%mul3A_2, %dma_wait3A_252] : memref<6400x128xi32, #tpu.memory_space<hbm>> -> memref<200x128xi32, #tpu.memory_space<hbm>>
      %dma_wait3A_254 = arith.constant 0 : i32
      %dma_wait3A_255 = tpu.memref_slice %arg3[%mul3A_2, %dma_wait3A_254] : memref<6400x128xi32, #tpu.memory_space<hbm>> -> memref<200x128xi32, #tpu.memory_space<hbm>>
      tpu.wait_dma2 semaphore(%run_scoped3A_247 : memref<!tpu.dma_semaphore, #tpu.memory_space<semaphore_mem>>) src(%dma_wait3A_255 : memref<200x128xi32, #tpu.memory_space<hbm>>) dst(%arg5 : memref<200x128xi32, #tpu.memory_space<vmem>>)
      tpu.yield
    }) : () -> ()
    %mul3A_3 = arith.constant 25600 : i32
    %mul3A_4 = arith.muli %add3A, %mul3A_3 : i32
    %dma_start3A = arith.constant 0 : i32
    %dma_start3A_5 = arith.constant 0 : i32
    %dma_start3A_6 = arith.constant 0 : i32
    %dma_start3A_7 = arith.constant 0 : i32
    %dma_start3A_8 = tpu.memref_slice %arg6[%dma_start3A_5, %dma_start3A_6, %dma_start3A_7] : memref<8x128x32xf32, #tpu.memory_space<vmem>> -> memref<1x128x32xf32, #tpu.memory_space<vmem>>
    %dma_start3A_9 = tpu.memref_squeeze %dma_start3A_8 : memref<1x128x32xf32, #tpu.memory_space<vmem>> -> memref<128x32xf32, #tpu.memory_space<vmem>>
    %dma_start3A_10 = arith.constant 0 : i32
    %dma_start3A_11 = tpu.memref_slice %arg5[%dma_start3A, %dma_start3A_10] : memref<200x128xi32, #tpu.memory_space<vmem>> -> memref<1x128xi32, #tpu.memory_space<vmem>>
    %dma_start3A_12 = tpu.memref_squeeze %dma_start3A_11 : memref<1x128xi32, #tpu.memory_space<vmem>> -> memref<128xi32, #tpu.memory_space<vmem>>
    %dma_start3A_13 = arith.constant 0 : i32
    %dma_start3A_14 = arith.constant 0 : i32
    %dma_start3A_15 = tpu.memref_slice %arg2[%dma_start3A_13, %dma_start3A_14] : memref<1000000x32xf32, #tpu.memory_space<hbm>> -> memref<1000000x32xf32, #tpu.memory_space<hbm>>
    tpu.enqueue_indirect_dma source(%dma_start3A_15 : memref<1000000x32xf32, #tpu.memory_space<hbm>>) target(%dma_start3A_9 : memref<128x32xf32, #tpu.memory_space<vmem>>) offsets(%dma_start3A_12 : memref<128xi32, #tpu.memory_space<vmem>>) semaphore(%arg7 : memref<!tpu.dma_semaphore, #tpu.memory_space<semaphore_mem>>)
    %dma_start3A_16 = arith.constant 1 : i32
    %dma_start3A_17 = arith.constant 1 : i32
    %dma_start3A_18 = arith.constant 0 : i32
    %dma_start3A_19 = arith.constant 0 : i32
    %dma_start3A_20 = tpu.memref_slice %arg6[%dma_start3A_17, %dma_start3A_18, %dma_start3A_19] : memref<8x128x32xf32, #tpu.memory_space<vmem>> -> memref<1x128x32xf32, #tpu.memory_space<vmem>>
    %dma_start3A_21 = tpu.memref_squeeze %dma_start3A_20 : memref<1x128x32xf32, #tpu.memory_space<vmem>> -> memref<128x32xf32, #tpu.memory_space<vmem>>
    %dma_start3A_22 = arith.constant 0 : i32
    %dma_start3A_23 = tpu.memref_slice %arg5[%dma_start3A_16, %dma_start3A_22] : memref<200x128xi32, #tpu.memory_space<vmem>> -> memref<1x128xi32, #tpu.memory_space<vmem>>
    %dma_start3A_24 = tpu.memref_squeeze %dma_start3A_23 : memref<1x128xi32, #tpu.memory_space<vmem>> -> memref<128xi32, #tpu.memory_space<vmem>>
    %dma_start3A_25 = arith.constant 0 : i32
    %dma_start3A_26 = arith.constant 0 : i32
    %dma_start3A_27 = tpu.memref_slice %arg2[%dma_start3A_25, %dma_start3A_26] : memref<1000000x32xf32, #tpu.memory_space<hbm>> -> memref<1000000x32xf32, #tpu.memory_space<hbm>>
    tpu.enqueue_indirect_dma source(%dma_start3A_27 : memref<1000000x32xf32, #tpu.memory_space<hbm>>) target(%dma_start3A_21 : memref<128x32xf32, #tpu.memory_space<vmem>>) offsets(%dma_start3A_24 : memref<128xi32, #tpu.memory_space<vmem>>) semaphore(%arg8 : memref<!tpu.dma_semaphore, #tpu.memory_space<semaphore_mem>>)
    %dma_start3A_28 = arith.constant 2 : i32
    %dma_start3A_29 = arith.constant 2 : i32
    %dma_start3A_30 = arith.constant 0 : i32
    %dma_start3A_31 = arith.constant 0 : i32
    %dma_start3A_32 = tpu.memref_slice %arg6[%dma_start3A_29, %dma_start3A_30, %dma_start3A_31] : memref<8x128x32xf32, #tpu.memory_space<vmem>> -> memref<1x128x32xf32, #tpu.memory_space<vmem>>
    %dma_start3A_33 = tpu.memref_squeeze %dma_start3A_32 : memref<1x128x32xf32, #tpu.memory_space<vmem>> -> memref<128x32xf32, #tpu.memory_space<vmem>>
    %dma_start3A_34 = arith.constant 0 : i32
    %dma_start3A_35 = tpu.memref_slice %arg5[%dma_start3A_28, %dma_start3A_34] : memref<200x128xi32, #tpu.memory_space<vmem>> -> memref<1x128xi32, #tpu.memory_space<vmem>>
    %dma_start3A_36 = tpu.memref_squeeze %dma_start3A_35 : memref<1x128xi32, #tpu.memory_space<vmem>> -> memref<128xi32, #tpu.memory_space<vmem>>
    %dma_start3A_37 = arith.constant 0 : i32
    %dma_start3A_38 = arith.constant 0 : i32
    %dma_start3A_39 = tpu.memref_slice %arg2[%dma_start3A_37, %dma_start3A_38] : memref<1000000x32xf32, #tpu.memory_space<hbm>> -> memref<1000000x32xf32, #tpu.memory_space<hbm>>
    tpu.enqueue_indirect_dma source(%dma_start3A_39 : memref<1000000x32xf32, #tpu.memory_space<hbm>>) target(%dma_start3A_33 : memref<128x32xf32, #tpu.memory_space<vmem>>) offsets(%dma_start3A_36 : memref<128xi32, #tpu.memory_space<vmem>>) semaphore(%arg9 : memref<!tpu.dma_semaphore, #tpu.memory_space<semaphore_mem>>)
    %dma_start3A_40 = arith.constant 3 : i32
    %dma_start3A_41 = arith.constant 3 : i32
    %dma_start3A_42 = arith.constant 0 : i32
    %dma_start3A_43 = arith.constant 0 : i32
    %dma_start3A_44 = tpu.memref_slice %arg6[%dma_start3A_41, %dma_start3A_42, %dma_start3A_43] : memref<8x128x32xf32, #tpu.memory_space<vmem>> -> memref<1x128x32xf32, #tpu.memory_space<vmem>>
    %dma_start3A_45 = tpu.memref_squeeze %dma_start3A_44 : memref<1x128x32xf32, #tpu.memory_space<vmem>> -> memref<128x32xf32, #tpu.memory_space<vmem>>
    %dma_start3A_46 = arith.constant 0 : i32
    %dma_start3A_47 = tpu.memref_slice %arg5[%dma_start3A_40, %dma_start3A_46] : memref<200x128xi32, #tpu.memory_space<vmem>> -> memref<1x128xi32, #tpu.memory_space<vmem>>
    %dma_start3A_48 = tpu.memref_squeeze %dma_start3A_47 : memref<1x128xi32, #tpu.memory_space<vmem>> -> memref<128xi32, #tpu.memory_space<vmem>>
    %dma_start3A_49 = arith.constant 0 : i32
    %dma_start3A_50 = arith.constant 0 : i32
    %dma_start3A_51 = tpu.memref_slice %arg2[%dma_start3A_49, %dma_start3A_50] : memref<1000000x32xf32, #tpu.memory_space<hbm>> -> memref<1000000x32xf32, #tpu.memory_space<hbm>>
    tpu.enqueue_indirect_dma source(%dma_start3A_51 : memref<1000000x32xf32, #tpu.memory_space<hbm>>) target(%dma_start3A_45 : memref<128x32xf32, #tpu.memory_space<vmem>>) offsets(%dma_start3A_48 : memref<128xi32, #tpu.memory_space<vmem>>) semaphore(%arg10 : memref<!tpu.dma_semaphore, #tpu.memory_space<semaphore_mem>>)
    %dma_start3A_52 = arith.constant 4 : i32
    %dma_start3A_53 = arith.constant 4 : i32
    %dma_start3A_54 = arith.constant 0 : i32
    %dma_start3A_55 = arith.constant 0 : i32
    %dma_start3A_56 = tpu.memref_slice %arg6[%dma_start3A_53, %dma_start3A_54, %dma_start3A_55] : memref<8x128x32xf32, #tpu.memory_space<vmem>> -> memref<1x128x32xf32, #tpu.memory_space<vmem>>
    %dma_start3A_57 = tpu.memref_squeeze %dma_start3A_56 : memref<1x128x32xf32, #tpu.memory_space<vmem>> -> memref<128x32xf32, #tpu.memory_space<vmem>>
    %dma_start3A_58 = arith.constant 0 : i32
    %dma_start3A_59 = tpu.memref_slice %arg5[%dma_start3A_52, %dma_start3A_58] : memref<200x128xi32, #tpu.memory_space<vmem>> -> memref<1x128xi32, #tpu.memory_space<vmem>>
    %dma_start3A_60 = tpu.memref_squeeze %dma_start3A_59 : memref<1x128xi32, #tpu.memory_space<vmem>> -> memref<128xi32, #tpu.memory_space<vmem>>
    %dma_start3A_61 = arith.constant 0 : i32
    %dma_start3A_62 = arith.constant 0 : i32
    %dma_start3A_63 = tpu.memref_slice %arg2[%dma_start3A_61, %dma_start3A_62] : memref<1000000x32xf32, #tpu.memory_space<hbm>> -> memref<1000000x32xf32, #tpu.memory_space<hbm>>
    tpu.enqueue_indirect_dma source(%dma_start3A_63 : memref<1000000x32xf32, #tpu.memory_space<hbm>>) target(%dma_start3A_57 : memref<128x32xf32, #tpu.memory_space<vmem>>) offsets(%dma_start3A_60 : memref<128xi32, #tpu.memory_space<vmem>>) semaphore(%arg11 : memref<!tpu.dma_semaphore, #tpu.memory_space<semaphore_mem>>)
    %dma_start3A_64 = arith.constant 5 : i32
    %dma_start3A_65 = arith.constant 5 : i32
    %dma_start3A_66 = arith.constant 0 : i32
    %dma_start3A_67 = arith.constant 0 : i32
    %dma_start3A_68 = tpu.memref_slice %arg6[%dma_start3A_65, %dma_start3A_66, %dma_start3A_67] : memref<8x128x32xf32, #tpu.memory_space<vmem>> -> memref<1x128x32xf32, #tpu.memory_space<vmem>>
    %dma_start3A_69 = tpu.memref_squeeze %dma_start3A_68 : memref<1x128x32xf32, #tpu.memory_space<vmem>> -> memref<128x32xf32, #tpu.memory_space<vmem>>
    %dma_start3A_70 = arith.constant 0 : i32
    %dma_start3A_71 = tpu.memref_slice %arg5[%dma_start3A_64, %dma_start3A_70] : memref<200x128xi32, #tpu.memory_space<vmem>> -> memref<1x128xi32, #tpu.memory_space<vmem>>
    %dma_start3A_72 = tpu.memref_squeeze %dma_start3A_71 : memref<1x128xi32, #tpu.memory_space<vmem>> -> memref<128xi32, #tpu.memory_space<vmem>>
    %dma_start3A_73 = arith.constant 0 : i32
    %dma_start3A_74 = arith.constant 0 : i32
    %dma_start3A_75 = tpu.memref_slice %arg2[%dma_start3A_73, %dma_start3A_74] : memref<1000000x32xf32, #tpu.memory_space<hbm>> -> memref<1000000x32xf32, #tpu.memory_space<hbm>>
    tpu.enqueue_indirect_dma source(%dma_start3A_75 : memref<1000000x32xf32, #tpu.memory_space<hbm>>) target(%dma_start3A_69 : memref<128x32xf32, #tpu.memory_space<vmem>>) offsets(%dma_start3A_72 : memref<128xi32, #tpu.memory_space<vmem>>) semaphore(%arg12 : memref<!tpu.dma_semaphore, #tpu.memory_space<semaphore_mem>>)
    %dma_start3A_76 = arith.constant 6 : i32
    %dma_start3A_77 = arith.constant 6 : i32
    %dma_start3A_78 = arith.constant 0 : i32
    %dma_start3A_79 = arith.constant 0 : i32
    %dma_start3A_80 = tpu.memref_slice %arg6[%dma_start3A_77, %dma_start3A_78, %dma_start3A_79] : memref<8x128x32xf32, #tpu.memory_space<vmem>> -> memref<1x128x32xf32, #tpu.memory_space<vmem>>
    %dma_start3A_81 = tpu.memref_squeeze %dma_start3A_80 : memref<1x128x32xf32, #tpu.memory_space<vmem>> -> memref<128x32xf32, #tpu.memory_space<vmem>>
    %dma_start3A_82 = arith.constant 0 : i32
    %dma_start3A_83 = tpu.memref_slice %arg5[%dma_start3A_76, %dma_start3A_82] : memref<200x128xi32, #tpu.memory_space<vmem>> -> memref<1x128xi32, #tpu.memory_space<vmem>>
    %dma_start3A_84 = tpu.memref_squeeze %dma_start3A_83 : memref<1x128xi32, #tpu.memory_space<vmem>> -> memref<128xi32, #tpu.memory_space<vmem>>
    %dma_start3A_85 = arith.constant 0 : i32
    %dma_start3A_86 = arith.constant 0 : i32
    %dma_start3A_87 = tpu.memref_slice %arg2[%dma_start3A_85, %dma_start3A_86] : memref<1000000x32xf32, #tpu.memory_space<hbm>> -> memref<1000000x32xf32, #tpu.memory_space<hbm>>
    tpu.enqueue_indirect_dma source(%dma_start3A_87 : memref<1000000x32xf32, #tpu.memory_space<hbm>>) target(%dma_start3A_81 : memref<128x32xf32, #tpu.memory_space<vmem>>) offsets(%dma_start3A_84 : memref<128xi32, #tpu.memory_space<vmem>>) semaphore(%arg13 : memref<!tpu.dma_semaphore, #tpu.memory_space<semaphore_mem>>)
    %dma_start3A_88 = arith.constant 7 : i32
    %dma_start3A_89 = arith.constant 7 : i32
    %dma_start3A_90 = arith.constant 0 : i32
    %dma_start3A_91 = arith.constant 0 : i32
    %dma_start3A_92 = tpu.memref_slice %arg6[%dma_start3A_89, %dma_start3A_90, %dma_start3A_91] : memref<8x128x32xf32, #tpu.memory_space<vmem>> -> memref<1x128x32xf32, #tpu.memory_space<vmem>>
    %dma_start3A_93 = tpu.memref_squeeze %dma_start3A_92 : memref<1x128x32xf32, #tpu.memory_space<vmem>> -> memref<128x32xf32, #tpu.memory_space<vmem>>
    %dma_start3A_94 = arith.constant 0 : i32
    %dma_start3A_95 = tpu.memref_slice %arg5[%dma_start3A_88, %dma_start3A_94] : memref<200x128xi32, #tpu.memory_space<vmem>> -> memref<1x128xi32, #tpu.memory_space<vmem>>
    %dma_start3A_96 = tpu.memref_squeeze %dma_start3A_95 : memref<1x128xi32, #tpu.memory_space<vmem>> -> memref<128xi32, #tpu.memory_space<vmem>>
    %dma_start3A_97 = arith.constant 0 : i32
    %dma_start3A_98 = arith.constant 0 : i32
    %dma_start3A_99 = tpu.memref_slice %arg2[%dma_start3A_97, %dma_start3A_98] : memref<1000000x32xf32, #tpu.memory_space<hbm>> -> memref<1000000x32xf32, #tpu.memory_space<hbm>>
    tpu.enqueue_indirect_dma source(%dma_start3A_99 : memref<1000000x32xf32, #tpu.memory_space<hbm>>) target(%dma_start3A_93 : memref<128x32xf32, #tpu.memory_space<vmem>>) offsets(%dma_start3A_96 : memref<128xi32, #tpu.memory_space<vmem>>) semaphore(%arg14 : memref<!tpu.dma_semaphore, #tpu.memory_space<semaphore_mem>>)
    %scan3A = arith.constant 0 : i32
    %scan3A_100 = arith.constant 0 : i32
    %scan3A_101 = arith.constant 24 : i32
    %scan3A_102 = arith.addi %scan3A_100, %scan3A_101 : i32
    %scan3A_103 = arith.constant 1 : i32
    scf.for %scan3A_247 = %scan3A_100 to %scan3A_102 step %scan3A_103  : i32 {
      %mul3A_248 = arith.constant 8 : i32
      %mul3A_249 = arith.muli %scan3A_247, %mul3A_248 : i32
      %add3A_250 = arith.constant 0 : i32
      %add3A_251 = arith.addi %mul3A_249, %add3A_250 : i32
      %dma_wait3A_252 = arith.constant 0 : i32
      %dma_wait3A_253 = arith.constant 0 : i32
      %dma_wait3A_254 = arith.constant 0 : i32
      %dma_wait3A_255 = tpu.memref_slice %arg6[%dma_wait3A_252, %dma_wait3A_253, %dma_wait3A_254] : memref<8x128x32xf32, #tpu.memory_space<vmem>> -> memref<1x128x32xf32, #tpu.memory_space<vmem>>
      %dma_wait3A_256 = tpu.memref_squeeze %dma_wait3A_255 : memref<1x128x32xf32, #tpu.memory_space<vmem>> -> memref<128x32xf32, #tpu.memory_space<vmem>>
      %dma_wait3A_257 = arith.constant 0 : i32
      %dma_wait3A_258 = arith.constant 0 : i32
      %dma_wait3A_259 = tpu.memref_slice %arg2[%dma_wait3A_257, %dma_wait3A_258] : memref<1000000x32xf32, #tpu.memory_space<hbm>> -> memref<128x32xf32, #tpu.memory_space<hbm>>
      %dma_wait3A_260 = arith.constant 0 : i32
      %dma_wait3A_261 = arith.constant 0 : i32
      %dma_wait3A_262 = tpu.memref_slice %arg6[%dma_wait3A_252, %dma_wait3A_260, %dma_wait3A_261] : memref<8x128x32xf32, #tpu.memory_space<vmem>> -> memref<1x128x32xf32, #tpu.memory_space<vmem>>
      %dma_wait3A_263 = tpu.memref_squeeze %dma_wait3A_262 : memref<1x128x32xf32, #tpu.memory_space<vmem>> -> memref<128x32xf32, #tpu.memory_space<vmem>>
      %dma_wait3A_264 = arith.constant 0 : i32
      %dma_wait3A_265 = arith.constant 0 : i32
      %dma_wait3A_266 = tpu.memref_slice %arg2[%dma_wait3A_264, %dma_wait3A_265] : memref<1000000x32xf32, #tpu.memory_space<hbm>> -> memref<128x32xf32, #tpu.memory_space<hbm>>
      tpu.wait_dma2 semaphore(%arg7 : memref<!tpu.dma_semaphore, #tpu.memory_space<semaphore_mem>>) src(%dma_wait3A_266 : memref<128x32xf32, #tpu.memory_space<hbm>>) dst(%dma_wait3A_263 : memref<128x32xf32, #tpu.memory_space<vmem>>)
      %mul3A_267 = arith.constant 128 : i32
      %mul3A_268 = arith.muli %add3A_251, %mul3A_267 : i32
      %add3A_269 = arith.addi %mul3A_4, %mul3A_268 : i32
      %run_scoped3A_270 = arith.constant 0 : i32
      "tpu.region"() ({
        %run_scoped3A_522 = tpu.sem_alloc : memref<!tpu.dma_semaphore, #tpu.memory_space<semaphore_mem>>
        %dma_start3A_523 = arith.constant 0 : i32
        %dma_start3A_524 = arith.constant 0 : i32
        %dma_start3A_525 = tpu.memref_slice %arg6[%run_scoped3A_270, %dma_start3A_523, %dma_start3A_524] : memref<8x128x32xf32, #tpu.memory_space<vmem>> -> memref<1x128x32xf32, #tpu.memory_space<vmem>>
        %dma_start3A_526 = tpu.memref_squeeze %dma_start3A_525 : memref<1x128x32xf32, #tpu.memory_space<vmem>> -> memref<128x32xf32, #tpu.memory_space<vmem>>
        %dma_start3A_527 = arith.constant 0 : i32
        %dma_start3A_528 = tpu.memref_slice %arg4[%add3A_269, %dma_start3A_527] : memref<819200x128xf32, #tpu.memory_space<hbm>> -> memref<128x128xf32, #tpu.memory_space<hbm>>
        %dma_start3A_529 = arith.constant 0 : i32
        %dma_start3A_530 = arith.constant 0 : i32
        %dma_start3A_531 = tpu.memref_slice %dma_start3A_528[%dma_start3A_529, %dma_start3A_530] : memref<128x128xf32, #tpu.memory_space<hbm>> -> memref<128x32xf32, #tpu.memory_space<hbm>>
        %dma_start3A_532 = arith.constant 0 : i32
        %dma_start3A_533 = tpu.memref_slice %arg4[%add3A_269, %dma_start3A_532] : memref<819200x128xf32, #tpu.memory_space<hbm>> -> memref<128x128xf32, #tpu.memory_space<hbm>>
        %dma_start3A_534 = arith.constant 0 : i32
        %dma_start3A_535 = arith.constant 0 : i32
        %dma_start3A_536 = tpu.memref_slice %dma_start3A_533[%dma_start3A_534, %dma_start3A_535] : memref<128x128xf32, #tpu.memory_space<hbm>> -> memref<128x32xf32, #tpu.memory_space<hbm>>
        %dma_start3A_537 = arith.constant 0 : i32
        %dma_start3A_538 = arith.constant 0 : i32
        %dma_start3A_539 = tpu.memref_slice %arg6[%run_scoped3A_270, %dma_start3A_537, %dma_start3A_538] : memref<8x128x32xf32, #tpu.memory_space<vmem>> -> memref<1x128x32xf32, #tpu.memory_space<vmem>>
        %dma_start3A_540 = tpu.memref_squeeze %dma_start3A_539 : memref<1x128x32xf32, #tpu.memory_space<vmem>> -> memref<128x32xf32, #tpu.memory_space<vmem>>
        tpu.enqueue_dma source(%dma_start3A_540 : memref<128x32xf32, #tpu.memory_space<vmem>>) target(%dma_start3A_536 : memref<128x32xf32, #tpu.memory_space<hbm>>) target_semaphore(%run_scoped3A_522 : memref<!tpu.dma_semaphore, #tpu.memory_space<semaphore_mem>>)
        %dma_wait3A_541 = arith.constant 0 : i32
        %dma_wait3A_542 = arith.constant 0 : i32
        %dma_wait3A_543 = tpu.memref_slice %arg6[%run_scoped3A_270, %dma_wait3A_541, %dma_wait3A_542] : memref<8x128x32xf32, #tpu.memory_space<vmem>> -> memref<1x128x32xf32, #tpu.memory_space<vmem>>
        %dma_wait3A_544 = tpu.memref_squeeze %dma_wait3A_543 : memref<1x128x32xf32, #tpu.memory_space<vmem>> -> memref<128x32xf32, #tpu.memory_space<vmem>>
        %dma_wait3A_545 = arith.constant 0 : i32
        %dma_wait3A_546 = tpu.memref_slice %arg4[%add3A_269, %dma_wait3A_545] : memref<819200x128xf32, #tpu.memory_space<hbm>> -> memref<128x128xf32, #tpu.memory_space<hbm>>
        %dma_wait3A_547 = arith.constant 0 : i32
        %dma_wait3A_548 = arith.constant 0 : i32
        %dma_wait3A_549 = tpu.memref_slice %dma_wait3A_546[%dma_wait3A_547, %dma_wait3A_548] : memref<128x128xf32, #tpu.memory_space<hbm>> -> memref<128x32xf32, #tpu.memory_space<hbm>>
        %dma_wait3A_550 = arith.constant 0 : i32
        %dma_wait3A_551 = tpu.memref_slice %arg4[%add3A_269, %dma_wait3A_550] : memref<819200x128xf32, #tpu.memory_space<hbm>> -> memref<128x128xf32, #tpu.memory_space<hbm>>
        %dma_wait3A_552 = arith.constant 0 : i32
        %dma_wait3A_553 = arith.constant 0 : i32
        %dma_wait3A_554 = tpu.memref_slice %dma_wait3A_551[%dma_wait3A_552, %dma_wait3A_553] : memref<128x128xf32, #tpu.memory_space<hbm>> -> memref<128x32xf32, #tpu.memory_space<hbm>>
        %dma_wait3A_555 = arith.constant 0 : i32
        %dma_wait3A_556 = arith.constant 0 : i32
        %dma_wait3A_557 = tpu.memref_slice %arg6[%run_scoped3A_270, %dma_wait3A_555, %dma_wait3A_556] : memref<8x128x32xf32, #tpu.memory_space<vmem>> -> memref<1x128x32xf32, #tpu.memory_space<vmem>>
        %dma_wait3A_558 = tpu.memref_squeeze %dma_wait3A_557 : memref<1x128x32xf32, #tpu.memory_space<vmem>> -> memref<128x32xf32, #tpu.memory_space<vmem>>
        tpu.wait_dma2 semaphore(%run_scoped3A_522 : memref<!tpu.dma_semaphore, #tpu.memory_space<semaphore_mem>>) src(%dma_wait3A_558 : memref<128x32xf32, #tpu.memory_space<vmem>>) dst(%dma_wait3A_554 : memref<128x32xf32, #tpu.memory_space<hbm>>)
        tpu.yield
      }) : () -> ()
      %add3A_271 = arith.constant 8 : i32
      %add3A_272 = arith.addi %add3A_251, %add3A_271 : i32
      %dma_start3A_273 = arith.constant 0 : i32
      %dma_start3A_274 = arith.constant 0 : i32
      %dma_start3A_275 = arith.constant 0 : i32
      %dma_start3A_276 = tpu.memref_slice %arg6[%dma_start3A_273, %dma_start3A_274, %dma_start3A_275] : memref<8x128x32xf32, #tpu.memory_space<vmem>> -> memref<1x128x32xf32, #tpu.memory_space<vmem>>
      %dma_start3A_277 = tpu.memref_squeeze %dma_start3A_276 : memref<1x128x32xf32, #tpu.memory_space<vmem>> -> memref<128x32xf32, #tpu.memory_space<vmem>>
      %dma_start3A_278 = arith.constant 0 : i32
      %dma_start3A_279 = tpu.memref_slice %arg5[%add3A_272, %dma_start3A_278] : memref<200x128xi32, #tpu.memory_space<vmem>> -> memref<1x128xi32, #tpu.memory_space<vmem>>
      %dma_start3A_280 = tpu.memref_squeeze %dma_start3A_279 : memref<1x128xi32, #tpu.memory_space<vmem>> -> memref<128xi32, #tpu.memory_space<vmem>>
      %dma_start3A_281 = arith.constant 0 : i32
      %dma_start3A_282 = arith.constant 0 : i32
      %dma_start3A_283 = tpu.memref_slice %arg2[%dma_start3A_281, %dma_start3A_282] : memref<1000000x32xf32, #tpu.memory_space<hbm>> -> memref<1000000x32xf32, #tpu.memory_space<hbm>>
      tpu.enqueue_indirect_dma source(%dma_start3A_283 : memref<1000000x32xf32, #tpu.memory_space<hbm>>) target(%dma_start3A_277 : memref<128x32xf32, #tpu.memory_space<vmem>>) offsets(%dma_start3A_280 : memref<128xi32, #tpu.memory_space<vmem>>) semaphore(%arg7 : memref<!tpu.dma_semaphore, #tpu.memory_space<semaphore_mem>>)
      %add3A_284 = arith.constant 1 : i32
      %add3A_285 = arith.addi %mul3A_249, %add3A_284 : i32
      %dma_wait3A_286 = arith.constant 1 : i32
      %dma_wait3A_287 = arith.constant 0 : i32
      %dma_wait3A_288 = arith.constant 0 : i32
      %dma_wait3A_289 = tpu.memref_slice %arg6[%dma_wait3A_286, %dma_wait3A_287, %dma_wait3A_288] : memref<8x128x32xf32, #tpu.memory_space<vmem>> -> memref<1x128x32xf32, #tpu.memory_space<vmem>>
      %dma_wait3A_290 = tpu.memref_squeeze %dma_wait3A_289 : memref<1x128x32xf32, #tpu.memory_space<vmem>> -> memref<128x32xf32, #tpu.memory_space<vmem>>
      %dma_wait3A_291 = arith.constant 0 : i32
      %dma_wait3A_292 = arith.constant 0 : i32
      %dma_wait3A_293 = tpu.memref_slice %arg2[%dma_wait3A_291, %dma_wait3A_292] : memref<1000000x32xf32, #tpu.memory_space<hbm>> -> memref<128x32xf32, #tpu.memory_space<hbm>>
      %dma_wait3A_294 = arith.constant 0 : i32
      %dma_wait3A_295 = arith.constant 0 : i32
      %dma_wait3A_296 = tpu.memref_slice %arg6[%dma_wait3A_286, %dma_wait3A_294, %dma_wait3A_295] : memref<8x128x32xf32, #tpu.memory_space<vmem>> -> memref<1x128x32xf32, #tpu.memory_space<vmem>>
      %dma_wait3A_297 = tpu.memref_squeeze %dma_wait3A_296 : memref<1x128x32xf32, #tpu.memory_space<vmem>> -> memref<128x32xf32, #tpu.memory_space<vmem>>
      %dma_wait3A_298 = arith.constant 0 : i32
      %dma_wait3A_299 = arith.constant 0 : i32
      %dma_wait3A_300 = tpu.memref_slice %arg2[%dma_wait3A_298, %dma_wait3A_299] : memref<1000000x32xf32, #tpu.memory_space<hbm>> -> memref<128x32xf32, #tpu.memory_space<hbm>>
      tpu.wait_dma2 semaphore(%arg8 : memref<!tpu.dma_semaphore, #tpu.memory_space<semaphore_mem>>) src(%dma_wait3A_300 : memref<128x32xf32, #tpu.memory_space<hbm>>) dst(%dma_wait3A_297 : memref<128x32xf32, #tpu.memory_space<vmem>>)
      %mul3A_301 = arith.constant 128 : i32
      %mul3A_302 = arith.muli %add3A_285, %mul3A_301 : i32
      %add3A_303 = arith.addi %mul3A_4, %mul3A_302 : i32
      %run_scoped3A_304 = arith.constant 1 : i32
      "tpu.region"() ({
        %run_scoped3A_522 = tpu.sem_alloc : memref<!tpu.dma_semaphore, #tpu.memory_space<semaphore_mem>>
        %dma_start3A_523 = arith.constant 0 : i32
        %dma_start3A_524 = arith.constant 0 : i32
        %dma_start3A_525 = tpu.memref_slice %arg6[%run_scoped3A_304, %dma_start3A_523, %dma_start3A_524] : memref<8x128x32xf32, #tpu.memory_space<vmem>> -> memref<1x128x32xf32, #tpu.memory_space<vmem>>
        %dma_start3A_526 = tpu.memref_squeeze %dma_start3A_525 : memref<1x128x32xf32, #tpu.memory_space<vmem>> -> memref<128x32xf32, #tpu.memory_space<vmem>>
        %dma_start3A_527 = arith.constant 0 : i32
        %dma_start3A_528 = tpu.memref_slice %arg4[%add3A_303, %dma_start3A_527] : memref<819200x128xf32, #tpu.memory_space<hbm>> -> memref<128x128xf32, #tpu.memory_space<hbm>>
        %dma_start3A_529 = arith.constant 0 : i32
        %dma_start3A_530 = arith.constant 0 : i32
        %dma_start3A_531 = tpu.memref_slice %dma_start3A_528[%dma_start3A_529, %dma_start3A_530] : memref<128x128xf32, #tpu.memory_space<hbm>> -> memref<128x32xf32, #tpu.memory_space<hbm>>
        %dma_start3A_532 = arith.constant 0 : i32
        %dma_start3A_533 = tpu.memref_slice %arg4[%add3A_303, %dma_start3A_532] : memref<819200x128xf32, #tpu.memory_space<hbm>> -> memref<128x128xf32, #tpu.memory_space<hbm>>
        %dma_start3A_534 = arith.constant 0 : i32
        %dma_start3A_535 = arith.constant 0 : i32
        %dma_start3A_536 = tpu.memref_slice %dma_start3A_533[%dma_start3A_534, %dma_start3A_535] : memref<128x128xf32, #tpu.memory_space<hbm>> -> memref<128x32xf32, #tpu.memory_space<hbm>>
        %dma_start3A_537 = arith.constant 0 : i32
        %dma_start3A_538 = arith.constant 0 : i32
        %dma_start3A_539 = tpu.memref_slice %arg6[%run_scoped3A_304, %dma_start3A_537, %dma_start3A_538] : memref<8x128x32xf32, #tpu.memory_space<vmem>> -> memref<1x128x32xf32, #tpu.memory_space<vmem>>
        %dma_start3A_540 = tpu.memref_squeeze %dma_start3A_539 : memref<1x128x32xf32, #tpu.memory_space<vmem>> -> memref<128x32xf32, #tpu.memory_space<vmem>>
        tpu.enqueue_dma source(%dma_start3A_540 : memref<128x32xf32, #tpu.memory_space<vmem>>) target(%dma_start3A_536 : memref<128x32xf32, #tpu.memory_space<hbm>>) target_semaphore(%run_scoped3A_522 : memref<!tpu.dma_semaphore, #tpu.memory_space<semaphore_mem>>)
        %dma_wait3A_541 = arith.constant 0 : i32
        %dma_wait3A_542 = arith.constant 0 : i32
        %dma_wait3A_543 = tpu.memref_slice %arg6[%run_scoped3A_304, %dma_wait3A_541, %dma_wait3A_542] : memref<8x128x32xf32, #tpu.memory_space<vmem>> -> memref<1x128x32xf32, #tpu.memory_space<vmem>>
        %dma_wait3A_544 = tpu.memref_squeeze %dma_wait3A_543 : memref<1x128x32xf32, #tpu.memory_space<vmem>> -> memref<128x32xf32, #tpu.memory_space<vmem>>
        %dma_wait3A_545 = arith.constant 0 : i32
        %dma_wait3A_546 = tpu.memref_slice %arg4[%add3A_303, %dma_wait3A_545] : memref<819200x128xf32, #tpu.memory_space<hbm>> -> memref<128x128xf32, #tpu.memory_space<hbm>>
        %dma_wait3A_547 = arith.constant 0 : i32
        %dma_wait3A_548 = arith.constant 0 : i32
        %dma_wait3A_549 = tpu.memref_slice %dma_wait3A_546[%dma_wait3A_547, %dma_wait3A_548] : memref<128x128xf32, #tpu.memory_space<hbm>> -> memref<128x32xf32, #tpu.memory_space<hbm>>
        %dma_wait3A_550 = arith.constant 0 : i32
        %dma_wait3A_551 = tpu.memref_slice %arg4[%add3A_303, %dma_wait3A_550] : memref<819200x128xf32, #tpu.memory_space<hbm>> -> memref<128x128xf32, #tpu.memory_space<hbm>>
        %dma_wait3A_552 = arith.constant 0 : i32
        %dma_wait3A_553 = arith.constant 0 : i32
        %dma_wait3A_554 = tpu.memref_slice %dma_wait3A_551[%dma_wait3A_552, %dma_wait3A_553] : memref<128x128xf32, #tpu.memory_space<hbm>> -> memref<128x32xf32, #tpu.memory_space<hbm>>
        %dma_wait3A_555 = arith.constant 0 : i32
        %dma_wait3A_556 = arith.constant 0 : i32
        %dma_wait3A_557 = tpu.memref_slice %arg6[%run_scoped3A_304, %dma_wait3A_555, %dma_wait3A_556] : memref<8x128x32xf32, #tpu.memory_space<vmem>> -> memref<1x128x32xf32, #tpu.memory_space<vmem>>
        %dma_wait3A_558 = tpu.memref_squeeze %dma_wait3A_557 : memref<1x128x32xf32, #tpu.memory_space<vmem>> -> memref<128x32xf32, #tpu.memory_space<vmem>>
        tpu.wait_dma2 semaphore(%run_scoped3A_522 : memref<!tpu.dma_semaphore, #tpu.memory_space<semaphore_mem>>) src(%dma_wait3A_558 : memref<128x32xf32, #tpu.memory_space<vmem>>) dst(%dma_wait3A_554 : memref<128x32xf32, #tpu.memory_space<hbm>>)
        tpu.yield
      }) : () -> ()
      %add3A_305 = arith.constant 8 : i32
      %add3A_306 = arith.addi %add3A_285, %add3A_305 : i32
      %dma_start3A_307 = arith.constant 1 : i32
      %dma_start3A_308 = arith.constant 0 : i32
      %dma_start3A_309 = arith.constant 0 : i32
      %dma_start3A_310 = tpu.memref_slice %arg6[%dma_start3A_307, %dma_start3A_308, %dma_start3A_309] : memref<8x128x32xf32, #tpu.memory_space<vmem>> -> memref<1x128x32xf32, #tpu.memory_space<vmem>>
      %dma_start3A_311 = tpu.memref_squeeze %dma_start3A_310 : memref<1x128x32xf32, #tpu.memory_space<vmem>> -> memref<128x32xf32, #tpu.memory_space<vmem>>
      %dma_start3A_312 = arith.constant 0 : i32
      %dma_start3A_313 = tpu.memref_slice %arg5[%add3A_306, %dma_start3A_312] : memref<200x128xi32, #tpu.memory_space<vmem>> -> memref<1x128xi32, #tpu.memory_space<vmem>>
      %dma_start3A_314 = tpu.memref_squeeze %dma_start3A_313 : memref<1x128xi32, #tpu.memory_space<vmem>> -> memref<128xi32, #tpu.memory_space<vmem>>
      %dma_start3A_315 = arith.constant 0 : i32
      %dma_start3A_316 = arith.constant 0 : i32
      %dma_start3A_317 = tpu.memref_slice %arg2[%dma_start3A_315, %dma_start3A_316] : memref<1000000x32xf32, #tpu.memory_space<hbm>> -> memref<1000000x32xf32, #tpu.memory_space<hbm>>
      tpu.enqueue_indirect_dma source(%dma_start3A_317 : memref<1000000x32xf32, #tpu.memory_space<hbm>>) target(%dma_start3A_311 : memref<128x32xf32, #tpu.memory_space<vmem>>) offsets(%dma_start3A_314 : memref<128xi32, #tpu.memory_space<vmem>>) semaphore(%arg8 : memref<!tpu.dma_semaphore, #tpu.memory_space<semaphore_mem>>)
      %add3A_318 = arith.constant 2 : i32
      %add3A_319 = arith.addi %mul3A_249, %add3A_318 : i32
      %dma_wait3A_320 = arith.constant 2 : i32
      %dma_wait3A_321 = arith.constant 0 : i32
      %dma_wait3A_322 = arith.constant 0 : i32
      %dma_wait3A_323 = tpu.memref_slice %arg6[%dma_wait3A_320, %dma_wait3A_321, %dma_wait3A_322] : memref<8x128x32xf32, #tpu.memory_space<vmem>> -> memref<1x128x32xf32, #tpu.memory_space<vmem>>
      %dma_wait3A_324 = tpu.memref_squeeze %dma_wait3A_323 : memref<1x128x32xf32, #tpu.memory_space<vmem>> -> memref<128x32xf32, #tpu.memory_space<vmem>>
      %dma_wait3A_325 = arith.constant 0 : i32
      %dma_wait3A_326 = arith.constant 0 : i32
      %dma_wait3A_327 = tpu.memref_slice %arg2[%dma_wait3A_325, %dma_wait3A_326] : memref<1000000x32xf32, #tpu.memory_space<hbm>> -> memref<128x32xf32, #tpu.memory_space<hbm>>
      %dma_wait3A_328 = arith.constant 0 : i32
      %dma_wait3A_329 = arith.constant 0 : i32
      %dma_wait3A_330 = tpu.memref_slice %arg6[%dma_wait3A_320, %dma_wait3A_328, %dma_wait3A_329] : memref<8x128x32xf32, #tpu.memory_space<vmem>> -> memref<1x128x32xf32, #tpu.memory_space<vmem>>
      %dma_wait3A_331 = tpu.memref_squeeze %dma_wait3A_330 : memref<1x128x32xf32, #tpu.memory_space<vmem>> -> memref<128x32xf32, #tpu.memory_space<vmem>>
      %dma_wait3A_332 = arith.constant 0 : i32
      %dma_wait3A_333 = arith.constant 0 : i32
      %dma_wait3A_334 = tpu.memref_slice %arg2[%dma_wait3A_332, %dma_wait3A_333] : memref<1000000x32xf32, #tpu.memory_space<hbm>> -> memref<128x32xf32, #tpu.memory_space<hbm>>
      tpu.wait_dma2 semaphore(%arg9 : memref<!tpu.dma_semaphore, #tpu.memory_space<semaphore_mem>>) src(%dma_wait3A_334 : memref<128x32xf32, #tpu.memory_space<hbm>>) dst(%dma_wait3A_331 : memref<128x32xf32, #tpu.memory_space<vmem>>)
      %mul3A_335 = arith.constant 128 : i32
      %mul3A_336 = arith.muli %add3A_319, %mul3A_335 : i32
      %add3A_337 = arith.addi %mul3A_4, %mul3A_336 : i32
      %run_scoped3A_338 = arith.constant 2 : i32
      "tpu.region"() ({
        %run_scoped3A_522 = tpu.sem_alloc : memref<!tpu.dma_semaphore, #tpu.memory_space<semaphore_mem>>
        %dma_start3A_523 = arith.constant 0 : i32
        %dma_start3A_524 = arith.constant 0 : i32
        %dma_start3A_525 = tpu.memref_slice %arg6[%run_scoped3A_338, %dma_start3A_523, %dma_start3A_524] : memref<8x128x32xf32, #tpu.memory_space<vmem>> -> memref<1x128x32xf32, #tpu.memory_space<vmem>>
        %dma_start3A_526 = tpu.memref_squeeze %dma_start3A_525 : memref<1x128x32xf32, #tpu.memory_space<vmem>> -> memref<128x32xf32, #tpu.memory_space<vmem>>
        %dma_start3A_527 = arith.constant 0 : i32
        %dma_start3A_528 = tpu.memref_slice %arg4[%add3A_337, %dma_start3A_527] : memref<819200x128xf32, #tpu.memory_space<hbm>> -> memref<128x128xf32, #tpu.memory_space<hbm>>
        %dma_start3A_529 = arith.constant 0 : i32
        %dma_start3A_530 = arith.constant 0 : i32
        %dma_start3A_531 = tpu.memref_slice %dma_start3A_528[%dma_start3A_529, %dma_start3A_530] : memref<128x128xf32, #tpu.memory_space<hbm>> -> memref<128x32xf32, #tpu.memory_space<hbm>>
        %dma_start3A_532 = arith.constant 0 : i32
        %dma_start3A_533 = tpu.memref_slice %arg4[%add3A_337, %dma_start3A_532] : memref<819200x128xf32, #tpu.memory_space<hbm>> -> memref<128x128xf32, #tpu.memory_space<hbm>>
        %dma_start3A_534 = arith.constant 0 : i32
        %dma_start3A_535 = arith.constant 0 : i32
        %dma_start3A_536 = tpu.memref_slice %dma_start3A_533[%dma_start3A_534, %dma_start3A_535] : memref<128x128xf32, #tpu.memory_space<hbm>> -> memref<128x32xf32, #tpu.memory_space<hbm>>
        %dma_start3A_537 = arith.constant 0 : i32
        %dma_start3A_538 = arith.constant 0 : i32
        %dma_start3A_539 = tpu.memref_slice %arg6[%run_scoped3A_338, %dma_start3A_537, %dma_start3A_538] : memref<8x128x32xf32, #tpu.memory_space<vmem>> -> memref<1x128x32xf32, #tpu.memory_space<vmem>>
        %dma_start3A_540 = tpu.memref_squeeze %dma_start3A_539 : memref<1x128x32xf32, #tpu.memory_space<vmem>> -> memref<128x32xf32, #tpu.memory_space<vmem>>
        tpu.enqueue_dma source(%dma_start3A_540 : memref<128x32xf32, #tpu.memory_space<vmem>>) target(%dma_start3A_536 : memref<128x32xf32, #tpu.memory_space<hbm>>) target_semaphore(%run_scoped3A_522 : memref<!tpu.dma_semaphore, #tpu.memory_space<semaphore_mem>>)
        %dma_wait3A_541 = arith.constant 0 : i32
        %dma_wait3A_542 = arith.constant 0 : i32
        %dma_wait3A_543 = tpu.memref_slice %arg6[%run_scoped3A_338, %dma_wait3A_541, %dma_wait3A_542] : memref<8x128x32xf32, #tpu.memory_space<vmem>> -> memref<1x128x32xf32, #tpu.memory_space<vmem>>
        %dma_wait3A_544 = tpu.memref_squeeze %dma_wait3A_543 : memref<1x128x32xf32, #tpu.memory_space<vmem>> -> memref<128x32xf32, #tpu.memory_space<vmem>>
        %dma_wait3A_545 = arith.constant 0 : i32
        %dma_wait3A_546 = tpu.memref_slice %arg4[%add3A_337, %dma_wait3A_545] : memref<819200x128xf32, #tpu.memory_space<hbm>> -> memref<128x128xf32, #tpu.memory_space<hbm>>
        %dma_wait3A_547 = arith.constant 0 : i32
        %dma_wait3A_548 = arith.constant 0 : i32
        %dma_wait3A_549 = tpu.memref_slice %dma_wait3A_546[%dma_wait3A_547, %dma_wait3A_548] : memref<128x128xf32, #tpu.memory_space<hbm>> -> memref<128x32xf32, #tpu.memory_space<hbm>>
        %dma_wait3A_550 = arith.constant 0 : i32
        %dma_wait3A_551 = tpu.memref_slice %arg4[%add3A_337, %dma_wait3A_550] : memref<819200x128xf32, #tpu.memory_space<hbm>> -> memref<128x128xf32, #tpu.memory_space<hbm>>
        %dma_wait3A_552 = arith.constant 0 : i32
        %dma_wait3A_553 = arith.constant 0 : i32
        %dma_wait3A_554 = tpu.memref_slice %dma_wait3A_551[%dma_wait3A_552, %dma_wait3A_553] : memref<128x128xf32, #tpu.memory_space<hbm>> -> memref<128x32xf32, #tpu.memory_space<hbm>>
        %dma_wait3A_555 = arith.constant 0 : i32
        %dma_wait3A_556 = arith.constant 0 : i32
        %dma_wait3A_557 = tpu.memref_slice %arg6[%run_scoped3A_338, %dma_wait3A_555, %dma_wait3A_556] : memref<8x128x32xf32, #tpu.memory_space<vmem>> -> memref<1x128x32xf32, #tpu.memory_space<vmem>>
        %dma_wait3A_558 = tpu.memref_squeeze %dma_wait3A_557 : memref<1x128x32xf32, #tpu.memory_space<vmem>> -> memref<128x32xf32, #tpu.memory_space<vmem>>
        tpu.wait_dma2 semaphore(%run_scoped3A_522 : memref<!tpu.dma_semaphore, #tpu.memory_space<semaphore_mem>>) src(%dma_wait3A_558 : memref<128x32xf32, #tpu.memory_space<vmem>>) dst(%dma_wait3A_554 : memref<128x32xf32, #tpu.memory_space<hbm>>)
        tpu.yield
      }) : () -> ()
      %add3A_339 = arith.constant 8 : i32
      %add3A_340 = arith.addi %add3A_319, %add3A_339 : i32
      %dma_start3A_341 = arith.constant 2 : i32
      %dma_start3A_342 = arith.constant 0 : i32
      %dma_start3A_343 = arith.constant 0 : i32
      %dma_start3A_344 = tpu.memref_slice %arg6[%dma_start3A_341, %dma_start3A_342, %dma_start3A_343] : memref<8x128x32xf32, #tpu.memory_space<vmem>> -> memref<1x128x32xf32, #tpu.memory_space<vmem>>
      %dma_start3A_345 = tpu.memref_squeeze %dma_start3A_344 : memref<1x128x32xf32, #tpu.memory_space<vmem>> -> memref<128x32xf32, #tpu.memory_space<vmem>>
      %dma_start3A_346 = arith.constant 0 : i32
      %dma_start3A_347 = tpu.memref_slice %arg5[%add3A_340, %dma_start3A_346] : memref<200x128xi32, #tpu.memory_space<vmem>> -> memref<1x128xi32, #tpu.memory_space<vmem>>
      %dma_start3A_348 = tpu.memref_squeeze %dma_start3A_347 : memref<1x128xi32, #tpu.memory_space<vmem>> -> memref<128xi32, #tpu.memory_space<vmem>>
      %dma_start3A_349 = arith.constant 0 : i32
      %dma_start3A_350 = arith.constant 0 : i32
      %dma_start3A_351 = tpu.memref_slice %arg2[%dma_start3A_349, %dma_start3A_350] : memref<1000000x32xf32, #tpu.memory_space<hbm>> -> memref<1000000x32xf32, #tpu.memory_space<hbm>>
      tpu.enqueue_indirect_dma source(%dma_start3A_351 : memref<1000000x32xf32, #tpu.memory_space<hbm>>) target(%dma_start3A_345 : memref<128x32xf32, #tpu.memory_space<vmem>>) offsets(%dma_start3A_348 : memref<128xi32, #tpu.memory_space<vmem>>) semaphore(%arg9 : memref<!tpu.dma_semaphore, #tpu.memory_space<semaphore_mem>>)
      %add3A_352 = arith.constant 3 : i32
      %add3A_353 = arith.addi %mul3A_249, %add3A_352 : i32
      %dma_wait3A_354 = arith.constant 3 : i32
      %dma_wait3A_355 = arith.constant 0 : i32
      %dma_wait3A_356 = arith.constant 0 : i32
      %dma_wait3A_357 = tpu.memref_slice %arg6[%dma_wait3A_354, %dma_wait3A_355, %dma_wait3A_356] : memref<8x128x32xf32, #tpu.memory_space<vmem>> -> memref<1x128x32xf32, #tpu.memory_space<vmem>>
      %dma_wait3A_358 = tpu.memref_squeeze %dma_wait3A_357 : memref<1x128x32xf32, #tpu.memory_space<vmem>> -> memref<128x32xf32, #tpu.memory_space<vmem>>
      %dma_wait3A_359 = arith.constant 0 : i32
      %dma_wait3A_360 = arith.constant 0 : i32
      %dma_wait3A_361 = tpu.memref_slice %arg2[%dma_wait3A_359, %dma_wait3A_360] : memref<1000000x32xf32, #tpu.memory_space<hbm>> -> memref<128x32xf32, #tpu.memory_space<hbm>>
      %dma_wait3A_362 = arith.constant 0 : i32
      %dma_wait3A_363 = arith.constant 0 : i32
      %dma_wait3A_364 = tpu.memref_slice %arg6[%dma_wait3A_354, %dma_wait3A_362, %dma_wait3A_363] : memref<8x128x32xf32, #tpu.memory_space<vmem>> -> memref<1x128x32xf32, #tpu.memory_space<vmem>>
      %dma_wait3A_365 = tpu.memref_squeeze %dma_wait3A_364 : memref<1x128x32xf32, #tpu.memory_space<vmem>> -> memref<128x32xf32, #tpu.memory_space<vmem>>
      %dma_wait3A_366 = arith.constant 0 : i32
      %dma_wait3A_367 = arith.constant 0 : i32
      %dma_wait3A_368 = tpu.memref_slice %arg2[%dma_wait3A_366, %dma_wait3A_367] : memref<1000000x32xf32, #tpu.memory_space<hbm>> -> memref<128x32xf32, #tpu.memory_space<hbm>>
      tpu.wait_dma2 semaphore(%arg10 : memref<!tpu.dma_semaphore, #tpu.memory_space<semaphore_mem>>) src(%dma_wait3A_368 : memref<128x32xf32, #tpu.memory_space<hbm>>) dst(%dma_wait3A_365 : memref<128x32xf32, #tpu.memory_space<vmem>>)
      %mul3A_369 = arith.constant 128 : i32
      %mul3A_370 = arith.muli %add3A_353, %mul3A_369 : i32
      %add3A_371 = arith.addi %mul3A_4, %mul3A_370 : i32
      %run_scoped3A_372 = arith.constant 3 : i32
      "tpu.region"() ({
        %run_scoped3A_522 = tpu.sem_alloc : memref<!tpu.dma_semaphore, #tpu.memory_space<semaphore_mem>>
        %dma_start3A_523 = arith.constant 0 : i32
        %dma_start3A_524 = arith.constant 0 : i32
        %dma_start3A_525 = tpu.memref_slice %arg6[%run_scoped3A_372, %dma_start3A_523, %dma_start3A_524] : memref<8x128x32xf32, #tpu.memory_space<vmem>> -> memref<1x128x32xf32, #tpu.memory_space<vmem>>
        %dma_start3A_526 = tpu.memref_squeeze %dma_start3A_525 : memref<1x128x32xf32, #tpu.memory_space<vmem>> -> memref<128x32xf32, #tpu.memory_space<vmem>>
        %dma_start3A_527 = arith.constant 0 : i32
        %dma_start3A_528 = tpu.memref_slice %arg4[%add3A_371, %dma_start3A_527] : memref<819200x128xf32, #tpu.memory_space<hbm>> -> memref<128x128xf32, #tpu.memory_space<hbm>>
        %dma_start3A_529 = arith.constant 0 : i32
        %dma_start3A_530 = arith.constant 0 : i32
        %dma_start3A_531 = tpu.memref_slice %dma_start3A_528[%dma_start3A_529, %dma_start3A_530] : memref<128x128xf32, #tpu.memory_space<hbm>> -> memref<128x32xf32, #tpu.memory_space<hbm>>
        %dma_start3A_532 = arith.constant 0 : i32
        %dma_start3A_533 = tpu.memref_slice %arg4[%add3A_371, %dma_start3A_532] : memref<819200x128xf32, #tpu.memory_space<hbm>> -> memref<128x128xf32, #tpu.memory_space<hbm>>
        %dma_start3A_534 = arith.constant 0 : i32
        %dma_start3A_535 = arith.constant 0 : i32
        %dma_start3A_536 = tpu.memref_slice %dma_start3A_533[%dma_start3A_534, %dma_start3A_535] : memref<128x128xf32, #tpu.memory_space<hbm>> -> memref<128x32xf32, #tpu.memory_space<hbm>>
        %dma_start3A_537 = arith.constant 0 : i32
        %dma_start3A_538 = arith.constant 0 : i32
        %dma_start3A_539 = tpu.memref_slice %arg6[%run_scoped3A_372, %dma_start3A_537, %dma_start3A_538] : memref<8x128x32xf32, #tpu.memory_space<vmem>> -> memref<1x128x32xf32, #tpu.memory_space<vmem>>
        %dma_start3A_540 = tpu.memref_squeeze %dma_start3A_539 : memref<1x128x32xf32, #tpu.memory_space<vmem>> -> memref<128x32xf32, #tpu.memory_space<vmem>>
        tpu.enqueue_dma source(%dma_start3A_540 : memref<128x32xf32, #tpu.memory_space<vmem>>) target(%dma_start3A_536 : memref<128x32xf32, #tpu.memory_space<hbm>>) target_semaphore(%run_scoped3A_522 : memref<!tpu.dma_semaphore, #tpu.memory_space<semaphore_mem>>)
        %dma_wait3A_541 = arith.constant 0 : i32
        %dma_wait3A_542 = arith.constant 0 : i32
        %dma_wait3A_543 = tpu.memref_slice %arg6[%run_scoped3A_372, %dma_wait3A_541, %dma_wait3A_542] : memref<8x128x32xf32, #tpu.memory_space<vmem>> -> memref<1x128x32xf32, #tpu.memory_space<vmem>>
        %dma_wait3A_544 = tpu.memref_squeeze %dma_wait3A_543 : memref<1x128x32xf32, #tpu.memory_space<vmem>> -> memref<128x32xf32, #tpu.memory_space<vmem>>
        %dma_wait3A_545 = arith.constant 0 : i32
        %dma_wait3A_546 = tpu.memref_slice %arg4[%add3A_371, %dma_wait3A_545] : memref<819200x128xf32, #tpu.memory_space<hbm>> -> memref<128x128xf32, #tpu.memory_space<hbm>>
        %dma_wait3A_547 = arith.constant 0 : i32
        %dma_wait3A_548 = arith.constant 0 : i32
        %dma_wait3A_549 = tpu.memref_slice %dma_wait3A_546[%dma_wait3A_547, %dma_wait3A_548] : memref<128x128xf32, #tpu.memory_space<hbm>> -> memref<128x32xf32, #tpu.memory_space<hbm>>
        %dma_wait3A_550 = arith.constant 0 : i32
        %dma_wait3A_551 = tpu.memref_slice %arg4[%add3A_371, %dma_wait3A_550] : memref<819200x128xf32, #tpu.memory_space<hbm>> -> memref<128x128xf32, #tpu.memory_space<hbm>>
        %dma_wait3A_552 = arith.constant 0 : i32
        %dma_wait3A_553 = arith.constant 0 : i32
        %dma_wait3A_554 = tpu.memref_slice %dma_wait3A_551[%dma_wait3A_552, %dma_wait3A_553] : memref<128x128xf32, #tpu.memory_space<hbm>> -> memref<128x32xf32, #tpu.memory_space<hbm>>
        %dma_wait3A_555 = arith.constant 0 : i32
        %dma_wait3A_556 = arith.constant 0 : i32
        %dma_wait3A_557 = tpu.memref_slice %arg6[%run_scoped3A_372, %dma_wait3A_555, %dma_wait3A_556] : memref<8x128x32xf32, #tpu.memory_space<vmem>> -> memref<1x128x32xf32, #tpu.memory_space<vmem>>
        %dma_wait3A_558 = tpu.memref_squeeze %dma_wait3A_557 : memref<1x128x32xf32, #tpu.memory_space<vmem>> -> memref<128x32xf32, #tpu.memory_space<vmem>>
        tpu.wait_dma2 semaphore(%run_scoped3A_522 : memref<!tpu.dma_semaphore, #tpu.memory_space<semaphore_mem>>) src(%dma_wait3A_558 : memref<128x32xf32, #tpu.memory_space<vmem>>) dst(%dma_wait3A_554 : memref<128x32xf32, #tpu.memory_space<hbm>>)
        tpu.yield
      }) : () -> ()
      %add3A_373 = arith.constant 8 : i32
      %add3A_374 = arith.addi %add3A_353, %add3A_373 : i32
      %dma_start3A_375 = arith.constant 3 : i32
      %dma_start3A_376 = arith.constant 0 : i32
      %dma_start3A_377 = arith.constant 0 : i32
      %dma_start3A_378 = tpu.memref_slice %arg6[%dma_start3A_375, %dma_start3A_376, %dma_start3A_377] : memref<8x128x32xf32, #tpu.memory_space<vmem>> -> memref<1x128x32xf32, #tpu.memory_space<vmem>>
      %dma_start3A_379 = tpu.memref_squeeze %dma_start3A_378 : memref<1x128x32xf32, #tpu.memory_space<vmem>> -> memref<128x32xf32, #tpu.memory_space<vmem>>
      %dma_start3A_380 = arith.constant 0 : i32
      %dma_start3A_381 = tpu.memref_slice %arg5[%add3A_374, %dma_start3A_380] : memref<200x128xi32, #tpu.memory_space<vmem>> -> memref<1x128xi32, #tpu.memory_space<vmem>>
      %dma_start3A_382 = tpu.memref_squeeze %dma_start3A_381 : memref<1x128xi32, #tpu.memory_space<vmem>> -> memref<128xi32, #tpu.memory_space<vmem>>
      %dma_start3A_383 = arith.constant 0 : i32
      %dma_start3A_384 = arith.constant 0 : i32
      %dma_start3A_385 = tpu.memref_slice %arg2[%dma_start3A_383, %dma_start3A_384] : memref<1000000x32xf32, #tpu.memory_space<hbm>> -> memref<1000000x32xf32, #tpu.memory_space<hbm>>
      tpu.enqueue_indirect_dma source(%dma_start3A_385 : memref<1000000x32xf32, #tpu.memory_space<hbm>>) target(%dma_start3A_379 : memref<128x32xf32, #tpu.memory_space<vmem>>) offsets(%dma_start3A_382 : memref<128xi32, #tpu.memory_space<vmem>>) semaphore(%arg10 : memref<!tpu.dma_semaphore, #tpu.memory_space<semaphore_mem>>)
      %add3A_386 = arith.constant 4 : i32
      %add3A_387 = arith.addi %mul3A_249, %add3A_386 : i32
      %dma_wait3A_388 = arith.constant 4 : i32
      %dma_wait3A_389 = arith.constant 0 : i32
      %dma_wait3A_390 = arith.constant 0 : i32
      %dma_wait3A_391 = tpu.memref_slice %arg6[%dma_wait3A_388, %dma_wait3A_389, %dma_wait3A_390] : memref<8x128x32xf32, #tpu.memory_space<vmem>> -> memref<1x128x32xf32, #tpu.memory_space<vmem>>
      %dma_wait3A_392 = tpu.memref_squeeze %dma_wait3A_391 : memref<1x128x32xf32, #tpu.memory_space<vmem>> -> memref<128x32xf32, #tpu.memory_space<vmem>>
      %dma_wait3A_393 = arith.constant 0 : i32
      %dma_wait3A_394 = arith.constant 0 : i32
      %dma_wait3A_395 = tpu.memref_slice %arg2[%dma_wait3A_393, %dma_wait3A_394] : memref<1000000x32xf32, #tpu.memory_space<hbm>> -> memref<128x32xf32, #tpu.memory_space<hbm>>
      %dma_wait3A_396 = arith.constant 0 : i32
      %dma_wait3A_397 = arith.constant 0 : i32
      %dma_wait3A_398 = tpu.memref_slice %arg6[%dma_wait3A_388, %dma_wait3A_396, %dma_wait3A_397] : memref<8x128x32xf32, #tpu.memory_space<vmem>> -> memref<1x128x32xf32, #tpu.memory_space<vmem>>
      %dma_wait3A_399 = tpu.memref_squeeze %dma_wait3A_398 : memref<1x128x32xf32, #tpu.memory_space<vmem>> -> memref<128x32xf32, #tpu.memory_space<vmem>>
      %dma_wait3A_400 = arith.constant 0 : i32
      %dma_wait3A_401 = arith.constant 0 : i32
      %dma_wait3A_402 = tpu.memref_slice %arg2[%dma_wait3A_400, %dma_wait3A_401] : memref<1000000x32xf32, #tpu.memory_space<hbm>> -> memref<128x32xf32, #tpu.memory_space<hbm>>
      tpu.wait_dma2 semaphore(%arg11 : memref<!tpu.dma_semaphore, #tpu.memory_space<semaphore_mem>>) src(%dma_wait3A_402 : memref<128x32xf32, #tpu.memory_space<hbm>>) dst(%dma_wait3A_399 : memref<128x32xf32, #tpu.memory_space<vmem>>)
      %mul3A_403 = arith.constant 128 : i32
      %mul3A_404 = arith.muli %add3A_387, %mul3A_403 : i32
      %add3A_405 = arith.addi %mul3A_4, %mul3A_404 : i32
      %run_scoped3A_406 = arith.constant 4 : i32
      "tpu.region"() ({
        %run_scoped3A_522 = tpu.sem_alloc : memref<!tpu.dma_semaphore, #tpu.memory_space<semaphore_mem>>
        %dma_start3A_523 = arith.constant 0 : i32
        %dma_start3A_524 = arith.constant 0 : i32
        %dma_start3A_525 = tpu.memref_slice %arg6[%run_scoped3A_406, %dma_start3A_523, %dma_start3A_524] : memref<8x128x32xf32, #tpu.memory_space<vmem>> -> memref<1x128x32xf32, #tpu.memory_space<vmem>>
        %dma_start3A_526 = tpu.memref_squeeze %dma_start3A_525 : memref<1x128x32xf32, #tpu.memory_space<vmem>> -> memref<128x32xf32, #tpu.memory_space<vmem>>
        %dma_start3A_527 = arith.constant 0 : i32
        %dma_start3A_528 = tpu.memref_slice %arg4[%add3A_405, %dma_start3A_527] : memref<819200x128xf32, #tpu.memory_space<hbm>> -> memref<128x128xf32, #tpu.memory_space<hbm>>
        %dma_start3A_529 = arith.constant 0 : i32
        %dma_start3A_530 = arith.constant 0 : i32
        %dma_start3A_531 = tpu.memref_slice %dma_start3A_528[%dma_start3A_529, %dma_start3A_530] : memref<128x128xf32, #tpu.memory_space<hbm>> -> memref<128x32xf32, #tpu.memory_space<hbm>>
        %dma_start3A_532 = arith.constant 0 : i32
        %dma_start3A_533 = tpu.memref_slice %arg4[%add3A_405, %dma_start3A_532] : memref<819200x128xf32, #tpu.memory_space<hbm>> -> memref<128x128xf32, #tpu.memory_space<hbm>>
        %dma_start3A_534 = arith.constant 0 : i32
        %dma_start3A_535 = arith.constant 0 : i32
        %dma_start3A_536 = tpu.memref_slice %dma_start3A_533[%dma_start3A_534, %dma_start3A_535] : memref<128x128xf32, #tpu.memory_space<hbm>> -> memref<128x32xf32, #tpu.memory_space<hbm>>
        %dma_start3A_537 = arith.constant 0 : i32
        %dma_start3A_538 = arith.constant 0 : i32
        %dma_start3A_539 = tpu.memref_slice %arg6[%run_scoped3A_406, %dma_start3A_537, %dma_start3A_538] : memref<8x128x32xf32, #tpu.memory_space<vmem>> -> memref<1x128x32xf32, #tpu.memory_space<vmem>>
        %dma_start3A_540 = tpu.memref_squeeze %dma_start3A_539 : memref<1x128x32xf32, #tpu.memory_space<vmem>> -> memref<128x32xf32, #tpu.memory_space<vmem>>
        tpu.enqueue_dma source(%dma_start3A_540 : memref<128x32xf32, #tpu.memory_space<vmem>>) target(%dma_start3A_536 : memref<128x32xf32, #tpu.memory_space<hbm>>) target_semaphore(%run_scoped3A_522 : memref<!tpu.dma_semaphore, #tpu.memory_space<semaphore_mem>>)
        %dma_wait3A_541 = arith.constant 0 : i32
        %dma_wait3A_542 = arith.constant 0 : i32
        %dma_wait3A_543 = tpu.memref_slice %arg6[%run_scoped3A_406, %dma_wait3A_541, %dma_wait3A_542] : memref<8x128x32xf32, #tpu.memory_space<vmem>> -> memref<1x128x32xf32, #tpu.memory_space<vmem>>
        %dma_wait3A_544 = tpu.memref_squeeze %dma_wait3A_543 : memref<1x128x32xf32, #tpu.memory_space<vmem>> -> memref<128x32xf32, #tpu.memory_space<vmem>>
        %dma_wait3A_545 = arith.constant 0 : i32
        %dma_wait3A_546 = tpu.memref_slice %arg4[%add3A_405, %dma_wait3A_545] : memref<819200x128xf32, #tpu.memory_space<hbm>> -> memref<128x128xf32, #tpu.memory_space<hbm>>
        %dma_wait3A_547 = arith.constant 0 : i32
        %dma_wait3A_548 = arith.constant 0 : i32
        %dma_wait3A_549 = tpu.memref_slice %dma_wait3A_546[%dma_wait3A_547, %dma_wait3A_548] : memref<128x128xf32, #tpu.memory_space<hbm>> -> memref<128x32xf32, #tpu.memory_space<hbm>>
        %dma_wait3A_550 = arith.constant 0 : i32
        %dma_wait3A_551 = tpu.memref_slice %arg4[%add3A_405, %dma_wait3A_550] : memref<819200x128xf32, #tpu.memory_space<hbm>> -> memref<128x128xf32, #tpu.memory_space<hbm>>
        %dma_wait3A_552 = arith.constant 0 : i32
        %dma_wait3A_553 = arith.constant 0 : i32
        %dma_wait3A_554 = tpu.memref_slice %dma_wait3A_551[%dma_wait3A_552, %dma_wait3A_553] : memref<128x128xf32, #tpu.memory_space<hbm>> -> memref<128x32xf32, #tpu.memory_space<hbm>>
        %dma_wait3A_555 = arith.constant 0 : i32
        %dma_wait3A_556 = arith.constant 0 : i32
        %dma_wait3A_557 = tpu.memref_slice %arg6[%run_scoped3A_406, %dma_wait3A_555, %dma_wait3A_556] : memref<8x128x32xf32, #tpu.memory_space<vmem>> -> memref<1x128x32xf32, #tpu.memory_space<vmem>>
        %dma_wait3A_558 = tpu.memref_squeeze %dma_wait3A_557 : memref<1x128x32xf32, #tpu.memory_space<vmem>> -> memref<128x32xf32, #tpu.memory_space<vmem>>
        tpu.wait_dma2 semaphore(%run_scoped3A_522 : memref<!tpu.dma_semaphore, #tpu.memory_space<semaphore_mem>>) src(%dma_wait3A_558 : memref<128x32xf32, #tpu.memory_space<vmem>>) dst(%dma_wait3A_554 : memref<128x32xf32, #tpu.memory_space<hbm>>)
        tpu.yield
      }) : () -> ()
      %add3A_407 = arith.constant 8 : i32
      %add3A_408 = arith.addi %add3A_387, %add3A_407 : i32
      %dma_start3A_409 = arith.constant 4 : i32
      %dma_start3A_410 = arith.constant 0 : i32
      %dma_start3A_411 = arith.constant 0 : i32
      %dma_start3A_412 = tpu.memref_slice %arg6[%dma_start3A_409, %dma_start3A_410, %dma_start3A_411] : memref<8x128x32xf32, #tpu.memory_space<vmem>> -> memref<1x128x32xf32, #tpu.memory_space<vmem>>
      %dma_start3A_413 = tpu.memref_squeeze %dma_start3A_412 : memref<1x128x32xf32, #tpu.memory_space<vmem>> -> memref<128x32xf32, #tpu.memory_space<vmem>>
      %dma_start3A_414 = arith.constant 0 : i32
      %dma_start3A_415 = tpu.memref_slice %arg5[%add3A_408, %dma_start3A_414] : memref<200x128xi32, #tpu.memory_space<vmem>> -> memref<1x128xi32, #tpu.memory_space<vmem>>
      %dma_start3A_416 = tpu.memref_squeeze %dma_start3A_415 : memref<1x128xi32, #tpu.memory_space<vmem>> -> memref<128xi32, #tpu.memory_space<vmem>>
      %dma_start3A_417 = arith.constant 0 : i32
      %dma_start3A_418 = arith.constant 0 : i32
      %dma_start3A_419 = tpu.memref_slice %arg2[%dma_start3A_417, %dma_start3A_418] : memref<1000000x32xf32, #tpu.memory_space<hbm>> -> memref<1000000x32xf32, #tpu.memory_space<hbm>>
      tpu.enqueue_indirect_dma source(%dma_start3A_419 : memref<1000000x32xf32, #tpu.memory_space<hbm>>) target(%dma_start3A_413 : memref<128x32xf32, #tpu.memory_space<vmem>>) offsets(%dma_start3A_416 : memref<128xi32, #tpu.memory_space<vmem>>) semaphore(%arg11 : memref<!tpu.dma_semaphore, #tpu.memory_space<semaphore_mem>>)
      %add3A_420 = arith.constant 5 : i32
      %add3A_421 = arith.addi %mul3A_249, %add3A_420 : i32
      %dma_wait3A_422 = arith.constant 5 : i32
      %dma_wait3A_423 = arith.constant 0 : i32
      %dma_wait3A_424 = arith.constant 0 : i32
      %dma_wait3A_425 = tpu.memref_slice %arg6[%dma_wait3A_422, %dma_wait3A_423, %dma_wait3A_424] : memref<8x128x32xf32, #tpu.memory_space<vmem>> -> memref<1x128x32xf32, #tpu.memory_space<vmem>>
      %dma_wait3A_426 = tpu.memref_squeeze %dma_wait3A_425 : memref<1x128x32xf32, #tpu.memory_space<vmem>> -> memref<128x32xf32, #tpu.memory_space<vmem>>
      %dma_wait3A_427 = arith.constant 0 : i32
      %dma_wait3A_428 = arith.constant 0 : i32
      %dma_wait3A_429 = tpu.memref_slice %arg2[%dma_wait3A_427, %dma_wait3A_428] : memref<1000000x32xf32, #tpu.memory_space<hbm>> -> memref<128x32xf32, #tpu.memory_space<hbm>>
      %dma_wait3A_430 = arith.constant 0 : i32
      %dma_wait3A_431 = arith.constant 0 : i32
      %dma_wait3A_432 = tpu.memref_slice %arg6[%dma_wait3A_422, %dma_wait3A_430, %dma_wait3A_431] : memref<8x128x32xf32, #tpu.memory_space<vmem>> -> memref<1x128x32xf32, #tpu.memory_space<vmem>>
      %dma_wait3A_433 = tpu.memref_squeeze %dma_wait3A_432 : memref<1x128x32xf32, #tpu.memory_space<vmem>> -> memref<128x32xf32, #tpu.memory_space<vmem>>
      %dma_wait3A_434 = arith.constant 0 : i32
      %dma_wait3A_435 = arith.constant 0 : i32
      %dma_wait3A_436 = tpu.memref_slice %arg2[%dma_wait3A_434, %dma_wait3A_435] : memref<1000000x32xf32, #tpu.memory_space<hbm>> -> memref<128x32xf32, #tpu.memory_space<hbm>>
      tpu.wait_dma2 semaphore(%arg12 : memref<!tpu.dma_semaphore, #tpu.memory_space<semaphore_mem>>) src(%dma_wait3A_436 : memref<128x32xf32, #tpu.memory_space<hbm>>) dst(%dma_wait3A_433 : memref<128x32xf32, #tpu.memory_space<vmem>>)
      %mul3A_437 = arith.constant 128 : i32
      %mul3A_438 = arith.muli %add3A_421, %mul3A_437 : i32
      %add3A_439 = arith.addi %mul3A_4, %mul3A_438 : i32
      %run_scoped3A_440 = arith.constant 5 : i32
      "tpu.region"() ({
        %run_scoped3A_522 = tpu.sem_alloc : memref<!tpu.dma_semaphore, #tpu.memory_space<semaphore_mem>>
        %dma_start3A_523 = arith.constant 0 : i32
        %dma_start3A_524 = arith.constant 0 : i32
        %dma_start3A_525 = tpu.memref_slice %arg6[%run_scoped3A_440, %dma_start3A_523, %dma_start3A_524] : memref<8x128x32xf32, #tpu.memory_space<vmem>> -> memref<1x128x32xf32, #tpu.memory_space<vmem>>
        %dma_start3A_526 = tpu.memref_squeeze %dma_start3A_525 : memref<1x128x32xf32, #tpu.memory_space<vmem>> -> memref<128x32xf32, #tpu.memory_space<vmem>>
        %dma_start3A_527 = arith.constant 0 : i32
        %dma_start3A_528 = tpu.memref_slice %arg4[%add3A_439, %dma_start3A_527] : memref<819200x128xf32, #tpu.memory_space<hbm>> -> memref<128x128xf32, #tpu.memory_space<hbm>>
        %dma_start3A_529 = arith.constant 0 : i32
        %dma_start3A_530 = arith.constant 0 : i32
        %dma_start3A_531 = tpu.memref_slice %dma_start3A_528[%dma_start3A_529, %dma_start3A_530] : memref<128x128xf32, #tpu.memory_space<hbm>> -> memref<128x32xf32, #tpu.memory_space<hbm>>
        %dma_start3A_532 = arith.constant 0 : i32
        %dma_start3A_533 = tpu.memref_slice %arg4[%add3A_439, %dma_start3A_532] : memref<819200x128xf32, #tpu.memory_space<hbm>> -> memref<128x128xf32, #tpu.memory_space<hbm>>
        %dma_start3A_534 = arith.constant 0 : i32
        %dma_start3A_535 = arith.constant 0 : i32
        %dma_start3A_536 = tpu.memref_slice %dma_start3A_533[%dma_start3A_534, %dma_start3A_535] : memref<128x128xf32, #tpu.memory_space<hbm>> -> memref<128x32xf32, #tpu.memory_space<hbm>>
        %dma_start3A_537 = arith.constant 0 : i32
        %dma_start3A_538 = arith.constant 0 : i32
        %dma_start3A_539 = tpu.memref_slice %arg6[%run_scoped3A_440, %dma_start3A_537, %dma_start3A_538] : memref<8x128x32xf32, #tpu.memory_space<vmem>> -> memref<1x128x32xf32, #tpu.memory_space<vmem>>
        %dma_start3A_540 = tpu.memref_squeeze %dma_start3A_539 : memref<1x128x32xf32, #tpu.memory_space<vmem>> -> memref<128x32xf32, #tpu.memory_space<vmem>>
        tpu.enqueue_dma source(%dma_start3A_540 : memref<128x32xf32, #tpu.memory_space<vmem>>) target(%dma_start3A_536 : memref<128x32xf32, #tpu.memory_space<hbm>>) target_semaphore(%run_scoped3A_522 : memref<!tpu.dma_semaphore, #tpu.memory_space<semaphore_mem>>)
        %dma_wait3A_541 = arith.constant 0 : i32
        %dma_wait3A_542 = arith.constant 0 : i32
        %dma_wait3A_543 = tpu.memref_slice %arg6[%run_scoped3A_440, %dma_wait3A_541, %dma_wait3A_542] : memref<8x128x32xf32, #tpu.memory_space<vmem>> -> memref<1x128x32xf32, #tpu.memory_space<vmem>>
        %dma_wait3A_544 = tpu.memref_squeeze %dma_wait3A_543 : memref<1x128x32xf32, #tpu.memory_space<vmem>> -> memref<128x32xf32, #tpu.memory_space<vmem>>
        %dma_wait3A_545 = arith.constant 0 : i32
        %dma_wait3A_546 = tpu.memref_slice %arg4[%add3A_439, %dma_wait3A_545] : memref<819200x128xf32, #tpu.memory_space<hbm>> -> memref<128x128xf32, #tpu.memory_space<hbm>>
        %dma_wait3A_547 = arith.constant 0 : i32
        %dma_wait3A_548 = arith.constant 0 : i32
        %dma_wait3A_549 = tpu.memref_slice %dma_wait3A_546[%dma_wait3A_547, %dma_wait3A_548] : memref<128x128xf32, #tpu.memory_space<hbm>> -> memref<128x32xf32, #tpu.memory_space<hbm>>
        %dma_wait3A_550 = arith.constant 0 : i32
        %dma_wait3A_551 = tpu.memref_slice %arg4[%add3A_439, %dma_wait3A_550] : memref<819200x128xf32, #tpu.memory_space<hbm>> -> memref<128x128xf32, #tpu.memory_space<hbm>>
        %dma_wait3A_552 = arith.constant 0 : i32
        %dma_wait3A_553 = arith.constant 0 : i32
        %dma_wait3A_554 = tpu.memref_slice %dma_wait3A_551[%dma_wait3A_552, %dma_wait3A_553] : memref<128x128xf32, #tpu.memory_space<hbm>> -> memref<128x32xf32, #tpu.memory_space<hbm>>
        %dma_wait3A_555 = arith.constant 0 : i32
        %dma_wait3A_556 = arith.constant 0 : i32
        %dma_wait3A_557 = tpu.memref_slice %arg6[%run_scoped3A_440, %dma_wait3A_555, %dma_wait3A_556] : memref<8x128x32xf32, #tpu.memory_space<vmem>> -> memref<1x128x32xf32, #tpu.memory_space<vmem>>
        %dma_wait3A_558 = tpu.memref_squeeze %dma_wait3A_557 : memref<1x128x32xf32, #tpu.memory_space<vmem>> -> memref<128x32xf32, #tpu.memory_space<vmem>>
        tpu.wait_dma2 semaphore(%run_scoped3A_522 : memref<!tpu.dma_semaphore, #tpu.memory_space<semaphore_mem>>) src(%dma_wait3A_558 : memref<128x32xf32, #tpu.memory_space<vmem>>) dst(%dma_wait3A_554 : memref<128x32xf32, #tpu.memory_space<hbm>>)
        tpu.yield
      }) : () -> ()
      %add3A_441 = arith.constant 8 : i32
      %add3A_442 = arith.addi %add3A_421, %add3A_441 : i32
      %dma_start3A_443 = arith.constant 5 : i32
      %dma_start3A_444 = arith.constant 0 : i32
      %dma_start3A_445 = arith.constant 0 : i32
      %dma_start3A_446 = tpu.memref_slice %arg6[%dma_start3A_443, %dma_start3A_444, %dma_start3A_445] : memref<8x128x32xf32, #tpu.memory_space<vmem>> -> memref<1x128x32xf32, #tpu.memory_space<vmem>>
      %dma_start3A_447 = tpu.memref_squeeze %dma_start3A_446 : memref<1x128x32xf32, #tpu.memory_space<vmem>> -> memref<128x32xf32, #tpu.memory_space<vmem>>
      %dma_start3A_448 = arith.constant 0 : i32
      %dma_start3A_449 = tpu.memref_slice %arg5[%add3A_442, %dma_start3A_448] : memref<200x128xi32, #tpu.memory_space<vmem>> -> memref<1x128xi32, #tpu.memory_space<vmem>>
      %dma_start3A_450 = tpu.memref_squeeze %dma_start3A_449 : memref<1x128xi32, #tpu.memory_space<vmem>> -> memref<128xi32, #tpu.memory_space<vmem>>
      %dma_start3A_451 = arith.constant 0 : i32
      %dma_start3A_452 = arith.constant 0 : i32
      %dma_start3A_453 = tpu.memref_slice %arg2[%dma_start3A_451, %dma_start3A_452] : memref<1000000x32xf32, #tpu.memory_space<hbm>> -> memref<1000000x32xf32, #tpu.memory_space<hbm>>
      tpu.enqueue_indirect_dma source(%dma_start3A_453 : memref<1000000x32xf32, #tpu.memory_space<hbm>>) target(%dma_start3A_447 : memref<128x32xf32, #tpu.memory_space<vmem>>) offsets(%dma_start3A_450 : memref<128xi32, #tpu.memory_space<vmem>>) semaphore(%arg12 : memref<!tpu.dma_semaphore, #tpu.memory_space<semaphore_mem>>)
      %add3A_454 = arith.constant 6 : i32
      %add3A_455 = arith.addi %mul3A_249, %add3A_454 : i32
      %dma_wait3A_456 = arith.constant 6 : i32
      %dma_wait3A_457 = arith.constant 0 : i32
      %dma_wait3A_458 = arith.constant 0 : i32
      %dma_wait3A_459 = tpu.memref_slice %arg6[%dma_wait3A_456, %dma_wait3A_457, %dma_wait3A_458] : memref<8x128x32xf32, #tpu.memory_space<vmem>> -> memref<1x128x32xf32, #tpu.memory_space<vmem>>
      %dma_wait3A_460 = tpu.memref_squeeze %dma_wait3A_459 : memref<1x128x32xf32, #tpu.memory_space<vmem>> -> memref<128x32xf32, #tpu.memory_space<vmem>>
      %dma_wait3A_461 = arith.constant 0 : i32
      %dma_wait3A_462 = arith.constant 0 : i32
      %dma_wait3A_463 = tpu.memref_slice %arg2[%dma_wait3A_461, %dma_wait3A_462] : memref<1000000x32xf32, #tpu.memory_space<hbm>> -> memref<128x32xf32, #tpu.memory_space<hbm>>
      %dma_wait3A_464 = arith.constant 0 : i32
      %dma_wait3A_465 = arith.constant 0 : i32
      %dma_wait3A_466 = tpu.memref_slice %arg6[%dma_wait3A_456, %dma_wait3A_464, %dma_wait3A_465] : memref<8x128x32xf32, #tpu.memory_space<vmem>> -> memref<1x128x32xf32, #tpu.memory_space<vmem>>
      %dma_wait3A_467 = tpu.memref_squeeze %dma_wait3A_466 : memref<1x128x32xf32, #tpu.memory_space<vmem>> -> memref<128x32xf32, #tpu.memory_space<vmem>>
      %dma_wait3A_468 = arith.constant 0 : i32
      %dma_wait3A_469 = arith.constant 0 : i32
      %dma_wait3A_470 = tpu.memref_slice %arg2[%dma_wait3A_468, %dma_wait3A_469] : memref<1000000x32xf32, #tpu.memory_space<hbm>> -> memref<128x32xf32, #tpu.memory_space<hbm>>
      tpu.wait_dma2 semaphore(%arg13 : memref<!tpu.dma_semaphore, #tpu.memory_space<semaphore_mem>>) src(%dma_wait3A_470 : memref<128x32xf32, #tpu.memory_space<hbm>>) dst(%dma_wait3A_467 : memref<128x32xf32, #tpu.memory_space<vmem>>)
      %mul3A_471 = arith.constant 128 : i32
      %mul3A_472 = arith.muli %add3A_455, %mul3A_471 : i32
      %add3A_473 = arith.addi %mul3A_4, %mul3A_472 : i32
      %run_scoped3A_474 = arith.constant 6 : i32
      "tpu.region"() ({
        %run_scoped3A_522 = tpu.sem_alloc : memref<!tpu.dma_semaphore, #tpu.memory_space<semaphore_mem>>
        %dma_start3A_523 = arith.constant 0 : i32
        %dma_start3A_524 = arith.constant 0 : i32
        %dma_start3A_525 = tpu.memref_slice %arg6[%run_scoped3A_474, %dma_start3A_523, %dma_start3A_524] : memref<8x128x32xf32, #tpu.memory_space<vmem>> -> memref<1x128x32xf32, #tpu.memory_space<vmem>>
        %dma_start3A_526 = tpu.memref_squeeze %dma_start3A_525 : memref<1x128x32xf32, #tpu.memory_space<vmem>> -> memref<128x32xf32, #tpu.memory_space<vmem>>
        %dma_start3A_527 = arith.constant 0 : i32
        %dma_start3A_528 = tpu.memref_slice %arg4[%add3A_473, %dma_start3A_527] : memref<819200x128xf32, #tpu.memory_space<hbm>> -> memref<128x128xf32, #tpu.memory_space<hbm>>
        %dma_start3A_529 = arith.constant 0 : i32
        %dma_start3A_530 = arith.constant 0 : i32
        %dma_start3A_531 = tpu.memref_slice %dma_start3A_528[%dma_start3A_529, %dma_start3A_530] : memref<128x128xf32, #tpu.memory_space<hbm>> -> memref<128x32xf32, #tpu.memory_space<hbm>>
        %dma_start3A_532 = arith.constant 0 : i32
        %dma_start3A_533 = tpu.memref_slice %arg4[%add3A_473, %dma_start3A_532] : memref<819200x128xf32, #tpu.memory_space<hbm>> -> memref<128x128xf32, #tpu.memory_space<hbm>>
        %dma_start3A_534 = arith.constant 0 : i32
        %dma_start3A_535 = arith.constant 0 : i32
        %dma_start3A_536 = tpu.memref_slice %dma_start3A_533[%dma_start3A_534, %dma_start3A_535] : memref<128x128xf32, #tpu.memory_space<hbm>> -> memref<128x32xf32, #tpu.memory_space<hbm>>
        %dma_start3A_537 = arith.constant 0 : i32
        %dma_start3A_538 = arith.constant 0 : i32
        %dma_start3A_539 = tpu.memref_slice %arg6[%run_scoped3A_474, %dma_start3A_537, %dma_start3A_538] : memref<8x128x32xf32, #tpu.memory_space<vmem>> -> memref<1x128x32xf32, #tpu.memory_space<vmem>>
        %dma_start3A_540 = tpu.memref_squeeze %dma_start3A_539 : memref<1x128x32xf32, #tpu.memory_space<vmem>> -> memref<128x32xf32, #tpu.memory_space<vmem>>
        tpu.enqueue_dma source(%dma_start3A_540 : memref<128x32xf32, #tpu.memory_space<vmem>>) target(%dma_start3A_536 : memref<128x32xf32, #tpu.memory_space<hbm>>) target_semaphore(%run_scoped3A_522 : memref<!tpu.dma_semaphore, #tpu.memory_space<semaphore_mem>>)
        %dma_wait3A_541 = arith.constant 0 : i32
        %dma_wait3A_542 = arith.constant 0 : i32
        %dma_wait3A_543 = tpu.memref_slice %arg6[%run_scoped3A_474, %dma_wait3A_541, %dma_wait3A_542] : memref<8x128x32xf32, #tpu.memory_space<vmem>> -> memref<1x128x32xf32, #tpu.memory_space<vmem>>
        %dma_wait3A_544 = tpu.memref_squeeze %dma_wait3A_543 : memref<1x128x32xf32, #tpu.memory_space<vmem>> -> memref<128x32xf32, #tpu.memory_space<vmem>>
        %dma_wait3A_545 = arith.constant 0 : i32
        %dma_wait3A_546 = tpu.memref_slice %arg4[%add3A_473, %dma_wait3A_545] : memref<819200x128xf32, #tpu.memory_space<hbm>> -> memref<128x128xf32, #tpu.memory_space<hbm>>
        %dma_wait3A_547 = arith.constant 0 : i32
        %dma_wait3A_548 = arith.constant 0 : i32
        %dma_wait3A_549 = tpu.memref_slice %dma_wait3A_546[%dma_wait3A_547, %dma_wait3A_548] : memref<128x128xf32, #tpu.memory_space<hbm>> -> memref<128x32xf32, #tpu.memory_space<hbm>>
        %dma_wait3A_550 = arith.constant 0 : i32
        %dma_wait3A_551 = tpu.memref_slice %arg4[%add3A_473, %dma_wait3A_550] : memref<819200x128xf32, #tpu.memory_space<hbm>> -> memref<128x128xf32, #tpu.memory_space<hbm>>
        %dma_wait3A_552 = arith.constant 0 : i32
        %dma_wait3A_553 = arith.constant 0 : i32
        %dma_wait3A_554 = tpu.memref_slice %dma_wait3A_551[%dma_wait3A_552, %dma_wait3A_553] : memref<128x128xf32, #tpu.memory_space<hbm>> -> memref<128x32xf32, #tpu.memory_space<hbm>>
        %dma_wait3A_555 = arith.constant 0 : i32
        %dma_wait3A_556 = arith.constant 0 : i32
        %dma_wait3A_557 = tpu.memref_slice %arg6[%run_scoped3A_474, %dma_wait3A_555, %dma_wait3A_556] : memref<8x128x32xf32, #tpu.memory_space<vmem>> -> memref<1x128x32xf32, #tpu.memory_space<vmem>>
        %dma_wait3A_558 = tpu.memref_squeeze %dma_wait3A_557 : memref<1x128x32xf32, #tpu.memory_space<vmem>> -> memref<128x32xf32, #tpu.memory_space<vmem>>
        tpu.wait_dma2 semaphore(%run_scoped3A_522 : memref<!tpu.dma_semaphore, #tpu.memory_space<semaphore_mem>>) src(%dma_wait3A_558 : memref<128x32xf32, #tpu.memory_space<vmem>>) dst(%dma_wait3A_554 : memref<128x32xf32, #tpu.memory_space<hbm>>)
        tpu.yield
      }) : () -> ()
      %add3A_475 = arith.constant 8 : i32
      %add3A_476 = arith.addi %add3A_455, %add3A_475 : i32
      %dma_start3A_477 = arith.constant 6 : i32
      %dma_start3A_478 = arith.constant 0 : i32
      %dma_start3A_479 = arith.constant 0 : i32
      %dma_start3A_480 = tpu.memref_slice %arg6[%dma_start3A_477, %dma_start3A_478, %dma_start3A_479] : memref<8x128x32xf32, #tpu.memory_space<vmem>> -> memref<1x128x32xf32, #tpu.memory_space<vmem>>
      %dma_start3A_481 = tpu.memref_squeeze %dma_start3A_480 : memref<1x128x32xf32, #tpu.memory_space<vmem>> -> memref<128x32xf32, #tpu.memory_space<vmem>>
      %dma_start3A_482 = arith.constant 0 : i32
      %dma_start3A_483 = tpu.memref_slice %arg5[%add3A_476, %dma_start3A_482] : memref<200x128xi32, #tpu.memory_space<vmem>> -> memref<1x128xi32, #tpu.memory_space<vmem>>
      %dma_start3A_484 = tpu.memref_squeeze %dma_start3A_483 : memref<1x128xi32, #tpu.memory_space<vmem>> -> memref<128xi32, #tpu.memory_space<vmem>>
      %dma_start3A_485 = arith.constant 0 : i32
      %dma_start3A_486 = arith.constant 0 : i32
      %dma_start3A_487 = tpu.memref_slice %arg2[%dma_start3A_485, %dma_start3A_486] : memref<1000000x32xf32, #tpu.memory_space<hbm>> -> memref<1000000x32xf32, #tpu.memory_space<hbm>>
      tpu.enqueue_indirect_dma source(%dma_start3A_487 : memref<1000000x32xf32, #tpu.memory_space<hbm>>) target(%dma_start3A_481 : memref<128x32xf32, #tpu.memory_space<vmem>>) offsets(%dma_start3A_484 : memref<128xi32, #tpu.memory_space<vmem>>) semaphore(%arg13 : memref<!tpu.dma_semaphore, #tpu.memory_space<semaphore_mem>>)
      %add3A_488 = arith.constant 7 : i32
      %add3A_489 = arith.addi %mul3A_249, %add3A_488 : i32
      %dma_wait3A_490 = arith.constant 7 : i32
      %dma_wait3A_491 = arith.constant 0 : i32
      %dma_wait3A_492 = arith.constant 0 : i32
      %dma_wait3A_493 = tpu.memref_slice %arg6[%dma_wait3A_490, %dma_wait3A_491, %dma_wait3A_492] : memref<8x128x32xf32, #tpu.memory_space<vmem>> -> memref<1x128x32xf32, #tpu.memory_space<vmem>>
      %dma_wait3A_494 = tpu.memref_squeeze %dma_wait3A_493 : memref<1x128x32xf32, #tpu.memory_space<vmem>> -> memref<128x32xf32, #tpu.memory_space<vmem>>
      %dma_wait3A_495 = arith.constant 0 : i32
      %dma_wait3A_496 = arith.constant 0 : i32
      %dma_wait3A_497 = tpu.memref_slice %arg2[%dma_wait3A_495, %dma_wait3A_496] : memref<1000000x32xf32, #tpu.memory_space<hbm>> -> memref<128x32xf32, #tpu.memory_space<hbm>>
      %dma_wait3A_498 = arith.constant 0 : i32
      %dma_wait3A_499 = arith.constant 0 : i32
      %dma_wait3A_500 = tpu.memref_slice %arg6[%dma_wait3A_490, %dma_wait3A_498, %dma_wait3A_499] : memref<8x128x32xf32, #tpu.memory_space<vmem>> -> memref<1x128x32xf32, #tpu.memory_space<vmem>>
      %dma_wait3A_501 = tpu.memref_squeeze %dma_wait3A_500 : memref<1x128x32xf32, #tpu.memory_space<vmem>> -> memref<128x32xf32, #tpu.memory_space<vmem>>
      %dma_wait3A_502 = arith.constant 0 : i32
      %dma_wait3A_503 = arith.constant 0 : i32
      %dma_wait3A_504 = tpu.memref_slice %arg2[%dma_wait3A_502, %dma_wait3A_503] : memref<1000000x32xf32, #tpu.memory_space<hbm>> -> memref<128x32xf32, #tpu.memory_space<hbm>>
      tpu.wait_dma2 semaphore(%arg14 : memref<!tpu.dma_semaphore, #tpu.memory_space<semaphore_mem>>) src(%dma_wait3A_504 : memref<128x32xf32, #tpu.memory_space<hbm>>) dst(%dma_wait3A_501 : memref<128x32xf32, #tpu.memory_space<vmem>>)
      %mul3A_505 = arith.constant 128 : i32
      %mul3A_506 = arith.muli %add3A_489, %mul3A_505 : i32
      %add3A_507 = arith.addi %mul3A_4, %mul3A_506 : i32
      %run_scoped3A_508 = arith.constant 7 : i32
      "tpu.region"() ({
        %run_scoped3A_522 = tpu.sem_alloc : memref<!tpu.dma_semaphore, #tpu.memory_space<semaphore_mem>>
        %dma_start3A_523 = arith.constant 0 : i32
        %dma_start3A_524 = arith.constant 0 : i32
        %dma_start3A_525 = tpu.memref_slice %arg6[%run_scoped3A_508, %dma_start3A_523, %dma_start3A_524] : memref<8x128x32xf32, #tpu.memory_space<vmem>> -> memref<1x128x32xf32, #tpu.memory_space<vmem>>
        %dma_start3A_526 = tpu.memref_squeeze %dma_start3A_525 : memref<1x128x32xf32, #tpu.memory_space<vmem>> -> memref<128x32xf32, #tpu.memory_space<vmem>>
        %dma_start3A_527 = arith.constant 0 : i32
        %dma_start3A_528 = tpu.memref_slice %arg4[%add3A_507, %dma_start3A_527] : memref<819200x128xf32, #tpu.memory_space<hbm>> -> memref<128x128xf32, #tpu.memory_space<hbm>>
        %dma_start3A_529 = arith.constant 0 : i32
        %dma_start3A_530 = arith.constant 0 : i32
        %dma_start3A_531 = tpu.memref_slice %dma_start3A_528[%dma_start3A_529, %dma_start3A_530] : memref<128x128xf32, #tpu.memory_space<hbm>> -> memref<128x32xf32, #tpu.memory_space<hbm>>
        %dma_start3A_532 = arith.constant 0 : i32
        %dma_start3A_533 = tpu.memref_slice %arg4[%add3A_507, %dma_start3A_532] : memref<819200x128xf32, #tpu.memory_space<hbm>> -> memref<128x128xf32, #tpu.memory_space<hbm>>
        %dma_start3A_534 = arith.constant 0 : i32
        %dma_start3A_535 = arith.constant 0 : i32
        %dma_start3A_536 = tpu.memref_slice %dma_start3A_533[%dma_start3A_534, %dma_start3A_535] : memref<128x128xf32, #tpu.memory_space<hbm>> -> memref<128x32xf32, #tpu.memory_space<hbm>>
        %dma_start3A_537 = arith.constant 0 : i32
        %dma_start3A_538 = arith.constant 0 : i32
        %dma_start3A_539 = tpu.memref_slice %arg6[%run_scoped3A_508, %dma_start3A_537, %dma_start3A_538] : memref<8x128x32xf32, #tpu.memory_space<vmem>> -> memref<1x128x32xf32, #tpu.memory_space<vmem>>
        %dma_start3A_540 = tpu.memref_squeeze %dma_start3A_539 : memref<1x128x32xf32, #tpu.memory_space<vmem>> -> memref<128x32xf32, #tpu.memory_space<vmem>>
        tpu.enqueue_dma source(%dma_start3A_540 : memref<128x32xf32, #tpu.memory_space<vmem>>) target(%dma_start3A_536 : memref<128x32xf32, #tpu.memory_space<hbm>>) target_semaphore(%run_scoped3A_522 : memref<!tpu.dma_semaphore, #tpu.memory_space<semaphore_mem>>)
        %dma_wait3A_541 = arith.constant 0 : i32
        %dma_wait3A_542 = arith.constant 0 : i32
        %dma_wait3A_543 = tpu.memref_slice %arg6[%run_scoped3A_508, %dma_wait3A_541, %dma_wait3A_542] : memref<8x128x32xf32, #tpu.memory_space<vmem>> -> memref<1x128x32xf32, #tpu.memory_space<vmem>>
        %dma_wait3A_544 = tpu.memref_squeeze %dma_wait3A_543 : memref<1x128x32xf32, #tpu.memory_space<vmem>> -> memref<128x32xf32, #tpu.memory_space<vmem>>
        %dma_wait3A_545 = arith.constant 0 : i32
        %dma_wait3A_546 = tpu.memref_slice %arg4[%add3A_507, %dma_wait3A_545] : memref<819200x128xf32, #tpu.memory_space<hbm>> -> memref<128x128xf32, #tpu.memory_space<hbm>>
        %dma_wait3A_547 = arith.constant 0 : i32
        %dma_wait3A_548 = arith.constant 0 : i32
        %dma_wait3A_549 = tpu.memref_slice %dma_wait3A_546[%dma_wait3A_547, %dma_wait3A_548] : memref<128x128xf32, #tpu.memory_space<hbm>> -> memref<128x32xf32, #tpu.memory_space<hbm>>
        %dma_wait3A_550 = arith.constant 0 : i32
        %dma_wait3A_551 = tpu.memref_slice %arg4[%add3A_507, %dma_wait3A_550] : memref<819200x128xf32, #tpu.memory_space<hbm>> -> memref<128x128xf32, #tpu.memory_space<hbm>>
        %dma_wait3A_552 = arith.constant 0 : i32
        %dma_wait3A_553 = arith.constant 0 : i32
        %dma_wait3A_554 = tpu.memref_slice %dma_wait3A_551[%dma_wait3A_552, %dma_wait3A_553] : memref<128x128xf32, #tpu.memory_space<hbm>> -> memref<128x32xf32, #tpu.memory_space<hbm>>
        %dma_wait3A_555 = arith.constant 0 : i32
        %dma_wait3A_556 = arith.constant 0 : i32
        %dma_wait3A_557 = tpu.memref_slice %arg6[%run_scoped3A_508, %dma_wait3A_555, %dma_wait3A_556] : memref<8x128x32xf32, #tpu.memory_space<vmem>> -> memref<1x128x32xf32, #tpu.memory_space<vmem>>
        %dma_wait3A_558 = tpu.memref_squeeze %dma_wait3A_557 : memref<1x128x32xf32, #tpu.memory_space<vmem>> -> memref<128x32xf32, #tpu.memory_space<vmem>>
        tpu.wait_dma2 semaphore(%run_scoped3A_522 : memref<!tpu.dma_semaphore, #tpu.memory_space<semaphore_mem>>) src(%dma_wait3A_558 : memref<128x32xf32, #tpu.memory_space<vmem>>) dst(%dma_wait3A_554 : memref<128x32xf32, #tpu.memory_space<hbm>>)
        tpu.yield
      }) : () -> ()
      %add3A_509 = arith.constant 8 : i32
      %add3A_510 = arith.addi %add3A_489, %add3A_509 : i32
      %dma_start3A_511 = arith.constant 7 : i32
      %dma_start3A_512 = arith.constant 0 : i32
      %dma_start3A_513 = arith.constant 0 : i32
      %dma_start3A_514 = tpu.memref_slice %arg6[%dma_start3A_511, %dma_start3A_512, %dma_start3A_513] : memref<8x128x32xf32, #tpu.memory_space<vmem>> -> memref<1x128x32xf32, #tpu.memory_space<vmem>>
      %dma_start3A_515 = tpu.memref_squeeze %dma_start3A_514 : memref<1x128x32xf32, #tpu.memory_space<vmem>> -> memref<128x32xf32, #tpu.memory_space<vmem>>
      %dma_start3A_516 = arith.constant 0 : i32
      %dma_start3A_517 = tpu.memref_slice %arg5[%add3A_510, %dma_start3A_516] : memref<200x128xi32, #tpu.memory_space<vmem>> -> memref<1x128xi32, #tpu.memory_space<vmem>>
      %dma_start3A_518 = tpu.memref_squeeze %dma_start3A_517 : memref<1x128xi32, #tpu.memory_space<vmem>> -> memref<128xi32, #tpu.memory_space<vmem>>
      %dma_start3A_519 = arith.constant 0 : i32
      %dma_start3A_520 = arith.constant 0 : i32
      %dma_start3A_521 = tpu.memref_slice %arg2[%dma_start3A_519, %dma_start3A_520] : memref<1000000x32xf32, #tpu.memory_space<hbm>> -> memref<1000000x32xf32, #tpu.memory_space<hbm>>
      tpu.enqueue_indirect_dma source(%dma_start3A_521 : memref<1000000x32xf32, #tpu.memory_space<hbm>>) target(%dma_start3A_515 : memref<128x32xf32, #tpu.memory_space<vmem>>) offsets(%dma_start3A_518 : memref<128xi32, #tpu.memory_space<vmem>>) semaphore(%arg14 : memref<!tpu.dma_semaphore, #tpu.memory_space<semaphore_mem>>)
    }
    %scan3A_104 = arith.constant 24 : i32
    %dma_wait3A = arith.constant 0 : i32
    %dma_wait3A_105 = arith.constant 0 : i32
    %dma_wait3A_106 = arith.constant 0 : i32
    %dma_wait3A_107 = tpu.memref_slice %arg6[%dma_wait3A, %dma_wait3A_105, %dma_wait3A_106] : memref<8x128x32xf32, #tpu.memory_space<vmem>> -> memref<1x128x32xf32, #tpu.memory_space<vmem>>
    %dma_wait3A_108 = tpu.memref_squeeze %dma_wait3A_107 : memref<1x128x32xf32, #tpu.memory_space<vmem>> -> memref<128x32xf32, #tpu.memory_space<vmem>>
    %dma_wait3A_109 = arith.constant 0 : i32
    %dma_wait3A_110 = arith.constant 0 : i32
    %dma_wait3A_111 = tpu.memref_slice %arg2[%dma_wait3A_109, %dma_wait3A_110] : memref<1000000x32xf32, #tpu.memory_space<hbm>> -> memref<128x32xf32, #tpu.memory_space<hbm>>
    %dma_wait3A_112 = arith.constant 0 : i32
    %dma_wait3A_113 = arith.constant 0 : i32
    %dma_wait3A_114 = tpu.memref_slice %arg6[%dma_wait3A, %dma_wait3A_112, %dma_wait3A_113] : memref<8x128x32xf32, #tpu.memory_space<vmem>> -> memref<1x128x32xf32, #tpu.memory_space<vmem>>
    %dma_wait3A_115 = tpu.memref_squeeze %dma_wait3A_114 : memref<1x128x32xf32, #tpu.memory_space<vmem>> -> memref<128x32xf32, #tpu.memory_space<vmem>>
    %dma_wait3A_116 = arith.constant 0 : i32
    %dma_wait3A_117 = arith.constant 0 : i32
    %dma_wait3A_118 = tpu.memref_slice %arg2[%dma_wait3A_116, %dma_wait3A_117] : memref<1000000x32xf32, #tpu.memory_space<hbm>> -> memref<128x32xf32, #tpu.memory_space<hbm>>
    tpu.wait_dma2 semaphore(%arg7 : memref<!tpu.dma_semaphore, #tpu.memory_space<semaphore_mem>>) src(%dma_wait3A_118 : memref<128x32xf32, #tpu.memory_space<hbm>>) dst(%dma_wait3A_115 : memref<128x32xf32, #tpu.memory_space<vmem>>)
    %add3A_119 = arith.constant 24576 : i32
    %add3A_120 = arith.addi %mul3A_4, %add3A_119 : i32
    %run_scoped3A = arith.constant 0 : i32
    "tpu.region"() ({
      %run_scoped3A_247 = tpu.sem_alloc : memref<!tpu.dma_semaphore, #tpu.memory_space<semaphore_mem>>
      %dma_start3A_248 = arith.constant 0 : i32
      %dma_start3A_249 = arith.constant 0 : i32
      %dma_start3A_250 = tpu.memref_slice %arg6[%run_scoped3A, %dma_start3A_248, %dma_start3A_249] : memref<8x128x32xf32, #tpu.memory_space<vmem>> -> memref<1x128x32xf32, #tpu.memory_space<vmem>>
      %dma_start3A_251 = tpu.memref_squeeze %dma_start3A_250 : memref<1x128x32xf32, #tpu.memory_space<vmem>> -> memref<128x32xf32, #tpu.memory_space<vmem>>
      %dma_start3A_252 = arith.constant 0 : i32
      %dma_start3A_253 = tpu.memref_slice %arg4[%add3A_120, %dma_start3A_252] : memref<819200x128xf32, #tpu.memory_space<hbm>> -> memref<128x128xf32, #tpu.memory_space<hbm>>
      %dma_start3A_254 = arith.constant 0 : i32
      %dma_start3A_255 = arith.constant 0 : i32
      %dma_start3A_256 = tpu.memref_slice %dma_start3A_253[%dma_start3A_254, %dma_start3A_255] : memref<128x128xf32, #tpu.memory_space<hbm>> -> memref<128x32xf32, #tpu.memory_space<hbm>>
      %dma_start3A_257 = arith.constant 0 : i32
      %dma_start3A_258 = tpu.memref_slice %arg4[%add3A_120, %dma_start3A_257] : memref<819200x128xf32, #tpu.memory_space<hbm>> -> memref<128x128xf32, #tpu.memory_space<hbm>>
      %dma_start3A_259 = arith.constant 0 : i32
      %dma_start3A_260 = arith.constant 0 : i32
      %dma_start3A_261 = tpu.memref_slice %dma_start3A_258[%dma_start3A_259, %dma_start3A_260] : memref<128x128xf32, #tpu.memory_space<hbm>> -> memref<128x32xf32, #tpu.memory_space<hbm>>
      %dma_start3A_262 = arith.constant 0 : i32
      %dma_start3A_263 = arith.constant 0 : i32
      %dma_start3A_264 = tpu.memref_slice %arg6[%run_scoped3A, %dma_start3A_262, %dma_start3A_263] : memref<8x128x32xf32, #tpu.memory_space<vmem>> -> memref<1x128x32xf32, #tpu.memory_space<vmem>>
      %dma_start3A_265 = tpu.memref_squeeze %dma_start3A_264 : memref<1x128x32xf32, #tpu.memory_space<vmem>> -> memref<128x32xf32, #tpu.memory_space<vmem>>
      tpu.enqueue_dma source(%dma_start3A_265 : memref<128x32xf32, #tpu.memory_space<vmem>>) target(%dma_start3A_261 : memref<128x32xf32, #tpu.memory_space<hbm>>) target_semaphore(%run_scoped3A_247 : memref<!tpu.dma_semaphore, #tpu.memory_space<semaphore_mem>>)
      %dma_wait3A_266 = arith.constant 0 : i32
      %dma_wait3A_267 = arith.constant 0 : i32
      %dma_wait3A_268 = tpu.memref_slice %arg6[%run_scoped3A, %dma_wait3A_266, %dma_wait3A_267] : memref<8x128x32xf32, #tpu.memory_space<vmem>> -> memref<1x128x32xf32, #tpu.memory_space<vmem>>
      %dma_wait3A_269 = tpu.memref_squeeze %dma_wait3A_268 : memref<1x128x32xf32, #tpu.memory_space<vmem>> -> memref<128x32xf32, #tpu.memory_space<vmem>>
      %dma_wait3A_270 = arith.constant 0 : i32
      %dma_wait3A_271 = tpu.memref_slice %arg4[%add3A_120, %dma_wait3A_270] : memref<819200x128xf32, #tpu.memory_space<hbm>> -> memref<128x128xf32, #tpu.memory_space<hbm>>
      %dma_wait3A_272 = arith.constant 0 : i32
      %dma_wait3A_273 = arith.constant 0 : i32
      %dma_wait3A_274 = tpu.memref_slice %dma_wait3A_271[%dma_wait3A_272, %dma_wait3A_273] : memref<128x128xf32, #tpu.memory_space<hbm>> -> memref<128x32xf32, #tpu.memory_space<hbm>>
      %dma_wait3A_275 = arith.constant 0 : i32
      %dma_wait3A_276 = tpu.memref_slice %arg4[%add3A_120, %dma_wait3A_275] : memref<819200x128xf32, #tpu.memory_space<hbm>> -> memref<128x128xf32, #tpu.memory_space<hbm>>
      %dma_wait3A_277 = arith.constant 0 : i32
      %dma_wait3A_278 = arith.constant 0 : i32
      %dma_wait3A_279 = tpu.memref_slice %dma_wait3A_276[%dma_wait3A_277, %dma_wait3A_278] : memref<128x128xf32, #tpu.memory_space<hbm>> -> memref<128x32xf32, #tpu.memory_space<hbm>>
      %dma_wait3A_280 = arith.constant 0 : i32
      %dma_wait3A_281 = arith.constant 0 : i32
      %dma_wait3A_282 = tpu.memref_slice %arg6[%run_scoped3A, %dma_wait3A_280, %dma_wait3A_281] : memref<8x128x32xf32, #tpu.memory_space<vmem>> -> memref<1x128x32xf32, #tpu.memory_space<vmem>>
      %dma_wait3A_283 = tpu.memref_squeeze %dma_wait3A_282 : memref<1x128x32xf32, #tpu.memory_space<vmem>> -> memref<128x32xf32, #tpu.memory_space<vmem>>
      tpu.wait_dma2 semaphore(%run_scoped3A_247 : memref<!tpu.dma_semaphore, #tpu.memory_space<semaphore_mem>>) src(%dma_wait3A_283 : memref<128x32xf32, #tpu.memory_space<vmem>>) dst(%dma_wait3A_279 : memref<128x32xf32, #tpu.memory_space<hbm>>)
      tpu.yield
    }) : () -> ()
    %dma_wait3A_121 = arith.constant 1 : i32
    %dma_wait3A_122 = arith.constant 0 : i32
    %dma_wait3A_123 = arith.constant 0 : i32
    %dma_wait3A_124 = tpu.memref_slice %arg6[%dma_wait3A_121, %dma_wait3A_122, %dma_wait3A_123] : memref<8x128x32xf32, #tpu.memory_space<vmem>> -> memref<1x128x32xf32, #tpu.memory_space<vmem>>
    %dma_wait3A_125 = tpu.memref_squeeze %dma_wait3A_124 : memref<1x128x32xf32, #tpu.memory_space<vmem>> -> memref<128x32xf32, #tpu.memory_space<vmem>>
    %dma_wait3A_126 = arith.constant 0 : i32
    %dma_wait3A_127 = arith.constant 0 : i32
    %dma_wait3A_128 = tpu.memref_slice %arg2[%dma_wait3A_126, %dma_wait3A_127] : memref<1000000x32xf32, #tpu.memory_space<hbm>> -> memref<128x32xf32, #tpu.memory_space<hbm>>
    %dma_wait3A_129 = arith.constant 0 : i32
    %dma_wait3A_130 = arith.constant 0 : i32
    %dma_wait3A_131 = tpu.memref_slice %arg6[%dma_wait3A_121, %dma_wait3A_129, %dma_wait3A_130] : memref<8x128x32xf32, #tpu.memory_space<vmem>> -> memref<1x128x32xf32, #tpu.memory_space<vmem>>
    %dma_wait3A_132 = tpu.memref_squeeze %dma_wait3A_131 : memref<1x128x32xf32, #tpu.memory_space<vmem>> -> memref<128x32xf32, #tpu.memory_space<vmem>>
    %dma_wait3A_133 = arith.constant 0 : i32
    %dma_wait3A_134 = arith.constant 0 : i32
    %dma_wait3A_135 = tpu.memref_slice %arg2[%dma_wait3A_133, %dma_wait3A_134] : memref<1000000x32xf32, #tpu.memory_space<hbm>> -> memref<128x32xf32, #tpu.memory_space<hbm>>
    tpu.wait_dma2 semaphore(%arg8 : memref<!tpu.dma_semaphore, #tpu.memory_space<semaphore_mem>>) src(%dma_wait3A_135 : memref<128x32xf32, #tpu.memory_space<hbm>>) dst(%dma_wait3A_132 : memref<128x32xf32, #tpu.memory_space<vmem>>)
    %add3A_136 = arith.constant 24704 : i32
    %add3A_137 = arith.addi %mul3A_4, %add3A_136 : i32
    %run_scoped3A_138 = arith.constant 1 : i32
    "tpu.region"() ({
      %run_scoped3A_247 = tpu.sem_alloc : memref<!tpu.dma_semaphore, #tpu.memory_space<semaphore_mem>>
      %dma_start3A_248 = arith.constant 0 : i32
      %dma_start3A_249 = arith.constant 0 : i32
      %dma_start3A_250 = tpu.memref_slice %arg6[%run_scoped3A_138, %dma_start3A_248, %dma_start3A_249] : memref<8x128x32xf32, #tpu.memory_space<vmem>> -> memref<1x128x32xf32, #tpu.memory_space<vmem>>
      %dma_start3A_251 = tpu.memref_squeeze %dma_start3A_250 : memref<1x128x32xf32, #tpu.memory_space<vmem>> -> memref<128x32xf32, #tpu.memory_space<vmem>>
      %dma_start3A_252 = arith.constant 0 : i32
      %dma_start3A_253 = tpu.memref_slice %arg4[%add3A_137, %dma_start3A_252] : memref<819200x128xf32, #tpu.memory_space<hbm>> -> memref<128x128xf32, #tpu.memory_space<hbm>>
      %dma_start3A_254 = arith.constant 0 : i32
      %dma_start3A_255 = arith.constant 0 : i32
      %dma_start3A_256 = tpu.memref_slice %dma_start3A_253[%dma_start3A_254, %dma_start3A_255] : memref<128x128xf32, #tpu.memory_space<hbm>> -> memref<128x32xf32, #tpu.memory_space<hbm>>
      %dma_start3A_257 = arith.constant 0 : i32
      %dma_start3A_258 = tpu.memref_slice %arg4[%add3A_137, %dma_start3A_257] : memref<819200x128xf32, #tpu.memory_space<hbm>> -> memref<128x128xf32, #tpu.memory_space<hbm>>
      %dma_start3A_259 = arith.constant 0 : i32
      %dma_start3A_260 = arith.constant 0 : i32
      %dma_start3A_261 = tpu.memref_slice %dma_start3A_258[%dma_start3A_259, %dma_start3A_260] : memref<128x128xf32, #tpu.memory_space<hbm>> -> memref<128x32xf32, #tpu.memory_space<hbm>>
      %dma_start3A_262 = arith.constant 0 : i32
      %dma_start3A_263 = arith.constant 0 : i32
      %dma_start3A_264 = tpu.memref_slice %arg6[%run_scoped3A_138, %dma_start3A_262, %dma_start3A_263] : memref<8x128x32xf32, #tpu.memory_space<vmem>> -> memref<1x128x32xf32, #tpu.memory_space<vmem>>
      %dma_start3A_265 = tpu.memref_squeeze %dma_start3A_264 : memref<1x128x32xf32, #tpu.memory_space<vmem>> -> memref<128x32xf32, #tpu.memory_space<vmem>>
      tpu.enqueue_dma source(%dma_start3A_265 : memref<128x32xf32, #tpu.memory_space<vmem>>) target(%dma_start3A_261 : memref<128x32xf32, #tpu.memory_space<hbm>>) target_semaphore(%run_scoped3A_247 : memref<!tpu.dma_semaphore, #tpu.memory_space<semaphore_mem>>)
      %dma_wait3A_266 = arith.constant 0 : i32
      %dma_wait3A_267 = arith.constant 0 : i32
      %dma_wait3A_268 = tpu.memref_slice %arg6[%run_scoped3A_138, %dma_wait3A_266, %dma_wait3A_267] : memref<8x128x32xf32, #tpu.memory_space<vmem>> -> memref<1x128x32xf32, #tpu.memory_space<vmem>>
      %dma_wait3A_269 = tpu.memref_squeeze %dma_wait3A_268 : memref<1x128x32xf32, #tpu.memory_space<vmem>> -> memref<128x32xf32, #tpu.memory_space<vmem>>
      %dma_wait3A_270 = arith.constant 0 : i32
      %dma_wait3A_271 = tpu.memref_slice %arg4[%add3A_137, %dma_wait3A_270] : memref<819200x128xf32, #tpu.memory_space<hbm>> -> memref<128x128xf32, #tpu.memory_space<hbm>>
      %dma_wait3A_272 = arith.constant 0 : i32
      %dma_wait3A_273 = arith.constant 0 : i32
      %dma_wait3A_274 = tpu.memref_slice %dma_wait3A_271[%dma_wait3A_272, %dma_wait3A_273] : memref<128x128xf32, #tpu.memory_space<hbm>> -> memref<128x32xf32, #tpu.memory_space<hbm>>
      %dma_wait3A_275 = arith.constant 0 : i32
      %dma_wait3A_276 = tpu.memref_slice %arg4[%add3A_137, %dma_wait3A_275] : memref<819200x128xf32, #tpu.memory_space<hbm>> -> memref<128x128xf32, #tpu.memory_space<hbm>>
      %dma_wait3A_277 = arith.constant 0 : i32
      %dma_wait3A_278 = arith.constant 0 : i32
      %dma_wait3A_279 = tpu.memref_slice %dma_wait3A_276[%dma_wait3A_277, %dma_wait3A_278] : memref<128x128xf32, #tpu.memory_space<hbm>> -> memref<128x32xf32, #tpu.memory_space<hbm>>
      %dma_wait3A_280 = arith.constant 0 : i32
      %dma_wait3A_281 = arith.constant 0 : i32
      %dma_wait3A_282 = tpu.memref_slice %arg6[%run_scoped3A_138, %dma_wait3A_280, %dma_wait3A_281] : memref<8x128x32xf32, #tpu.memory_space<vmem>> -> memref<1x128x32xf32, #tpu.memory_space<vmem>>
      %dma_wait3A_283 = tpu.memref_squeeze %dma_wait3A_282 : memref<1x128x32xf32, #tpu.memory_space<vmem>> -> memref<128x32xf32, #tpu.memory_space<vmem>>
      tpu.wait_dma2 semaphore(%run_scoped3A_247 : memref<!tpu.dma_semaphore, #tpu.memory_space<semaphore_mem>>) src(%dma_wait3A_283 : memref<128x32xf32, #tpu.memory_space<vmem>>) dst(%dma_wait3A_279 : memref<128x32xf32, #tpu.memory_space<hbm>>)
      tpu.yield
    }) : () -> ()
    %dma_wait3A_139 = arith.constant 2 : i32
    %dma_wait3A_140 = arith.constant 0 : i32
    %dma_wait3A_141 = arith.constant 0 : i32
    %dma_wait3A_142 = tpu.memref_slice %arg6[%dma_wait3A_139, %dma_wait3A_140, %dma_wait3A_141] : memref<8x128x32xf32, #tpu.memory_space<vmem>> -> memref<1x128x32xf32, #tpu.memory_space<vmem>>
    %dma_wait3A_143 = tpu.memref_squeeze %dma_wait3A_142 : memref<1x128x32xf32, #tpu.memory_space<vmem>> -> memref<128x32xf32, #tpu.memory_space<vmem>>
    %dma_wait3A_144 = arith.constant 0 : i32
    %dma_wait3A_145 = arith.constant 0 : i32
    %dma_wait3A_146 = tpu.memref_slice %arg2[%dma_wait3A_144, %dma_wait3A_145] : memref<1000000x32xf32, #tpu.memory_space<hbm>> -> memref<128x32xf32, #tpu.memory_space<hbm>>
    %dma_wait3A_147 = arith.constant 0 : i32
    %dma_wait3A_148 = arith.constant 0 : i32
    %dma_wait3A_149 = tpu.memref_slice %arg6[%dma_wait3A_139, %dma_wait3A_147, %dma_wait3A_148] : memref<8x128x32xf32, #tpu.memory_space<vmem>> -> memref<1x128x32xf32, #tpu.memory_space<vmem>>
    %dma_wait3A_150 = tpu.memref_squeeze %dma_wait3A_149 : memref<1x128x32xf32, #tpu.memory_space<vmem>> -> memref<128x32xf32, #tpu.memory_space<vmem>>
    %dma_wait3A_151 = arith.constant 0 : i32
    %dma_wait3A_152 = arith.constant 0 : i32
    %dma_wait3A_153 = tpu.memref_slice %arg2[%dma_wait3A_151, %dma_wait3A_152] : memref<1000000x32xf32, #tpu.memory_space<hbm>> -> memref<128x32xf32, #tpu.memory_space<hbm>>
    tpu.wait_dma2 semaphore(%arg9 : memref<!tpu.dma_semaphore, #tpu.memory_space<semaphore_mem>>) src(%dma_wait3A_153 : memref<128x32xf32, #tpu.memory_space<hbm>>) dst(%dma_wait3A_150 : memref<128x32xf32, #tpu.memory_space<vmem>>)
    %add3A_154 = arith.constant 24832 : i32
    %add3A_155 = arith.addi %mul3A_4, %add3A_154 : i32
    %run_scoped3A_156 = arith.constant 2 : i32
    "tpu.region"() ({
      %run_scoped3A_247 = tpu.sem_alloc : memref<!tpu.dma_semaphore, #tpu.memory_space<semaphore_mem>>
      %dma_start3A_248 = arith.constant 0 : i32
      %dma_start3A_249 = arith.constant 0 : i32
      %dma_start3A_250 = tpu.memref_slice %arg6[%run_scoped3A_156, %dma_start3A_248, %dma_start3A_249] : memref<8x128x32xf32, #tpu.memory_space<vmem>> -> memref<1x128x32xf32, #tpu.memory_space<vmem>>
      %dma_start3A_251 = tpu.memref_squeeze %dma_start3A_250 : memref<1x128x32xf32, #tpu.memory_space<vmem>> -> memref<128x32xf32, #tpu.memory_space<vmem>>
      %dma_start3A_252 = arith.constant 0 : i32
      %dma_start3A_253 = tpu.memref_slice %arg4[%add3A_155, %dma_start3A_252] : memref<819200x128xf32, #tpu.memory_space<hbm>> -> memref<128x128xf32, #tpu.memory_space<hbm>>
      %dma_start3A_254 = arith.constant 0 : i32
      %dma_start3A_255 = arith.constant 0 : i32
      %dma_start3A_256 = tpu.memref_slice %dma_start3A_253[%dma_start3A_254, %dma_start3A_255] : memref<128x128xf32, #tpu.memory_space<hbm>> -> memref<128x32xf32, #tpu.memory_space<hbm>>
      %dma_start3A_257 = arith.constant 0 : i32
      %dma_start3A_258 = tpu.memref_slice %arg4[%add3A_155, %dma_start3A_257] : memref<819200x128xf32, #tpu.memory_space<hbm>> -> memref<128x128xf32, #tpu.memory_space<hbm>>
      %dma_start3A_259 = arith.constant 0 : i32
      %dma_start3A_260 = arith.constant 0 : i32
      %dma_start3A_261 = tpu.memref_slice %dma_start3A_258[%dma_start3A_259, %dma_start3A_260] : memref<128x128xf32, #tpu.memory_space<hbm>> -> memref<128x32xf32, #tpu.memory_space<hbm>>
      %dma_start3A_262 = arith.constant 0 : i32
      %dma_start3A_263 = arith.constant 0 : i32
      %dma_start3A_264 = tpu.memref_slice %arg6[%run_scoped3A_156, %dma_start3A_262, %dma_start3A_263] : memref<8x128x32xf32, #tpu.memory_space<vmem>> -> memref<1x128x32xf32, #tpu.memory_space<vmem>>
      %dma_start3A_265 = tpu.memref_squeeze %dma_start3A_264 : memref<1x128x32xf32, #tpu.memory_space<vmem>> -> memref<128x32xf32, #tpu.memory_space<vmem>>
      tpu.enqueue_dma source(%dma_start3A_265 : memref<128x32xf32, #tpu.memory_space<vmem>>) target(%dma_start3A_261 : memref<128x32xf32, #tpu.memory_space<hbm>>) target_semaphore(%run_scoped3A_247 : memref<!tpu.dma_semaphore, #tpu.memory_space<semaphore_mem>>)
      %dma_wait3A_266 = arith.constant 0 : i32
      %dma_wait3A_267 = arith.constant 0 : i32
      %dma_wait3A_268 = tpu.memref_slice %arg6[%run_scoped3A_156, %dma_wait3A_266, %dma_wait3A_267] : memref<8x128x32xf32, #tpu.memory_space<vmem>> -> memref<1x128x32xf32, #tpu.memory_space<vmem>>
      %dma_wait3A_269 = tpu.memref_squeeze %dma_wait3A_268 : memref<1x128x32xf32, #tpu.memory_space<vmem>> -> memref<128x32xf32, #tpu.memory_space<vmem>>
      %dma_wait3A_270 = arith.constant 0 : i32
      %dma_wait3A_271 = tpu.memref_slice %arg4[%add3A_155, %dma_wait3A_270] : memref<819200x128xf32, #tpu.memory_space<hbm>> -> memref<128x128xf32, #tpu.memory_space<hbm>>
      %dma_wait3A_272 = arith.constant 0 : i32
      %dma_wait3A_273 = arith.constant 0 : i32
      %dma_wait3A_274 = tpu.memref_slice %dma_wait3A_271[%dma_wait3A_272, %dma_wait3A_273] : memref<128x128xf32, #tpu.memory_space<hbm>> -> memref<128x32xf32, #tpu.memory_space<hbm>>
      %dma_wait3A_275 = arith.constant 0 : i32
      %dma_wait3A_276 = tpu.memref_slice %arg4[%add3A_155, %dma_wait3A_275] : memref<819200x128xf32, #tpu.memory_space<hbm>> -> memref<128x128xf32, #tpu.memory_space<hbm>>
      %dma_wait3A_277 = arith.constant 0 : i32
      %dma_wait3A_278 = arith.constant 0 : i32
      %dma_wait3A_279 = tpu.memref_slice %dma_wait3A_276[%dma_wait3A_277, %dma_wait3A_278] : memref<128x128xf32, #tpu.memory_space<hbm>> -> memref<128x32xf32, #tpu.memory_space<hbm>>
      %dma_wait3A_280 = arith.constant 0 : i32
      %dma_wait3A_281 = arith.constant 0 : i32
      %dma_wait3A_282 = tpu.memref_slice %arg6[%run_scoped3A_156, %dma_wait3A_280, %dma_wait3A_281] : memref<8x128x32xf32, #tpu.memory_space<vmem>> -> memref<1x128x32xf32, #tpu.memory_space<vmem>>
      %dma_wait3A_283 = tpu.memref_squeeze %dma_wait3A_282 : memref<1x128x32xf32, #tpu.memory_space<vmem>> -> memref<128x32xf32, #tpu.memory_space<vmem>>
      tpu.wait_dma2 semaphore(%run_scoped3A_247 : memref<!tpu.dma_semaphore, #tpu.memory_space<semaphore_mem>>) src(%dma_wait3A_283 : memref<128x32xf32, #tpu.memory_space<vmem>>) dst(%dma_wait3A_279 : memref<128x32xf32, #tpu.memory_space<hbm>>)
      tpu.yield
    }) : () -> ()
    %dma_wait3A_157 = arith.constant 3 : i32
    %dma_wait3A_158 = arith.constant 0 : i32
    %dma_wait3A_159 = arith.constant 0 : i32
    %dma_wait3A_160 = tpu.memref_slice %arg6[%dma_wait3A_157, %dma_wait3A_158, %dma_wait3A_159] : memref<8x128x32xf32, #tpu.memory_space<vmem>> -> memref<1x128x32xf32, #tpu.memory_space<vmem>>
    %dma_wait3A_161 = tpu.memref_squeeze %dma_wait3A_160 : memref<1x128x32xf32, #tpu.memory_space<vmem>> -> memref<128x32xf32, #tpu.memory_space<vmem>>
    %dma_wait3A_162 = arith.constant 0 : i32
    %dma_wait3A_163 = arith.constant 0 : i32
    %dma_wait3A_164 = tpu.memref_slice %arg2[%dma_wait3A_162, %dma_wait3A_163] : memref<1000000x32xf32, #tpu.memory_space<hbm>> -> memref<128x32xf32, #tpu.memory_space<hbm>>
    %dma_wait3A_165 = arith.constant 0 : i32
    %dma_wait3A_166 = arith.constant 0 : i32
    %dma_wait3A_167 = tpu.memref_slice %arg6[%dma_wait3A_157, %dma_wait3A_165, %dma_wait3A_166] : memref<8x128x32xf32, #tpu.memory_space<vmem>> -> memref<1x128x32xf32, #tpu.memory_space<vmem>>
    %dma_wait3A_168 = tpu.memref_squeeze %dma_wait3A_167 : memref<1x128x32xf32, #tpu.memory_space<vmem>> -> memref<128x32xf32, #tpu.memory_space<vmem>>
    %dma_wait3A_169 = arith.constant 0 : i32
    %dma_wait3A_170 = arith.constant 0 : i32
    %dma_wait3A_171 = tpu.memref_slice %arg2[%dma_wait3A_169, %dma_wait3A_170] : memref<1000000x32xf32, #tpu.memory_space<hbm>> -> memref<128x32xf32, #tpu.memory_space<hbm>>
    tpu.wait_dma2 semaphore(%arg10 : memref<!tpu.dma_semaphore, #tpu.memory_space<semaphore_mem>>) src(%dma_wait3A_171 : memref<128x32xf32, #tpu.memory_space<hbm>>) dst(%dma_wait3A_168 : memref<128x32xf32, #tpu.memory_space<vmem>>)
    %add3A_172 = arith.constant 24960 : i32
    %add3A_173 = arith.addi %mul3A_4, %add3A_172 : i32
    %run_scoped3A_174 = arith.constant 3 : i32
    "tpu.region"() ({
      %run_scoped3A_247 = tpu.sem_alloc : memref<!tpu.dma_semaphore, #tpu.memory_space<semaphore_mem>>
      %dma_start3A_248 = arith.constant 0 : i32
      %dma_start3A_249 = arith.constant 0 : i32
      %dma_start3A_250 = tpu.memref_slice %arg6[%run_scoped3A_174, %dma_start3A_248, %dma_start3A_249] : memref<8x128x32xf32, #tpu.memory_space<vmem>> -> memref<1x128x32xf32, #tpu.memory_space<vmem>>
      %dma_start3A_251 = tpu.memref_squeeze %dma_start3A_250 : memref<1x128x32xf32, #tpu.memory_space<vmem>> -> memref<128x32xf32, #tpu.memory_space<vmem>>
      %dma_start3A_252 = arith.constant 0 : i32
      %dma_start3A_253 = tpu.memref_slice %arg4[%add3A_173, %dma_start3A_252] : memref<819200x128xf32, #tpu.memory_space<hbm>> -> memref<128x128xf32, #tpu.memory_space<hbm>>
      %dma_start3A_254 = arith.constant 0 : i32
      %dma_start3A_255 = arith.constant 0 : i32
      %dma_start3A_256 = tpu.memref_slice %dma_start3A_253[%dma_start3A_254, %dma_start3A_255] : memref<128x128xf32, #tpu.memory_space<hbm>> -> memref<128x32xf32, #tpu.memory_space<hbm>>
      %dma_start3A_257 = arith.constant 0 : i32
      %dma_start3A_258 = tpu.memref_slice %arg4[%add3A_173, %dma_start3A_257] : memref<819200x128xf32, #tpu.memory_space<hbm>> -> memref<128x128xf32, #tpu.memory_space<hbm>>
      %dma_start3A_259 = arith.constant 0 : i32
      %dma_start3A_260 = arith.constant 0 : i32
      %dma_start3A_261 = tpu.memref_slice %dma_start3A_258[%dma_start3A_259, %dma_start3A_260] : memref<128x128xf32, #tpu.memory_space<hbm>> -> memref<128x32xf32, #tpu.memory_space<hbm>>
      %dma_start3A_262 = arith.constant 0 : i32
      %dma_start3A_263 = arith.constant 0 : i32
      %dma_start3A_264 = tpu.memref_slice %arg6[%run_scoped3A_174, %dma_start3A_262, %dma_start3A_263] : memref<8x128x32xf32, #tpu.memory_space<vmem>> -> memref<1x128x32xf32, #tpu.memory_space<vmem>>
      %dma_start3A_265 = tpu.memref_squeeze %dma_start3A_264 : memref<1x128x32xf32, #tpu.memory_space<vmem>> -> memref<128x32xf32, #tpu.memory_space<vmem>>
      tpu.enqueue_dma source(%dma_start3A_265 : memref<128x32xf32, #tpu.memory_space<vmem>>) target(%dma_start3A_261 : memref<128x32xf32, #tpu.memory_space<hbm>>) target_semaphore(%run_scoped3A_247 : memref<!tpu.dma_semaphore, #tpu.memory_space<semaphore_mem>>)
      %dma_wait3A_266 = arith.constant 0 : i32
      %dma_wait3A_267 = arith.constant 0 : i32
      %dma_wait3A_268 = tpu.memref_slice %arg6[%run_scoped3A_174, %dma_wait3A_266, %dma_wait3A_267] : memref<8x128x32xf32, #tpu.memory_space<vmem>> -> memref<1x128x32xf32, #tpu.memory_space<vmem>>
      %dma_wait3A_269 = tpu.memref_squeeze %dma_wait3A_268 : memref<1x128x32xf32, #tpu.memory_space<vmem>> -> memref<128x32xf32, #tpu.memory_space<vmem>>
      %dma_wait3A_270 = arith.constant 0 : i32
      %dma_wait3A_271 = tpu.memref_slice %arg4[%add3A_173, %dma_wait3A_270] : memref<819200x128xf32, #tpu.memory_space<hbm>> -> memref<128x128xf32, #tpu.memory_space<hbm>>
      %dma_wait3A_272 = arith.constant 0 : i32
      %dma_wait3A_273 = arith.constant 0 : i32
      %dma_wait3A_274 = tpu.memref_slice %dma_wait3A_271[%dma_wait3A_272, %dma_wait3A_273] : memref<128x128xf32, #tpu.memory_space<hbm>> -> memref<128x32xf32, #tpu.memory_space<hbm>>
      %dma_wait3A_275 = arith.constant 0 : i32
      %dma_wait3A_276 = tpu.memref_slice %arg4[%add3A_173, %dma_wait3A_275] : memref<819200x128xf32, #tpu.memory_space<hbm>> -> memref<128x128xf32, #tpu.memory_space<hbm>>
      %dma_wait3A_277 = arith.constant 0 : i32
      %dma_wait3A_278 = arith.constant 0 : i32
      %dma_wait3A_279 = tpu.memref_slice %dma_wait3A_276[%dma_wait3A_277, %dma_wait3A_278] : memref<128x128xf32, #tpu.memory_space<hbm>> -> memref<128x32xf32, #tpu.memory_space<hbm>>
      %dma_wait3A_280 = arith.constant 0 : i32
      %dma_wait3A_281 = arith.constant 0 : i32
      %dma_wait3A_282 = tpu.memref_slice %arg6[%run_scoped3A_174, %dma_wait3A_280, %dma_wait3A_281] : memref<8x128x32xf32, #tpu.memory_space<vmem>> -> memref<1x128x32xf32, #tpu.memory_space<vmem>>
      %dma_wait3A_283 = tpu.memref_squeeze %dma_wait3A_282 : memref<1x128x32xf32, #tpu.memory_space<vmem>> -> memref<128x32xf32, #tpu.memory_space<vmem>>
      tpu.wait_dma2 semaphore(%run_scoped3A_247 : memref<!tpu.dma_semaphore, #tpu.memory_space<semaphore_mem>>) src(%dma_wait3A_283 : memref<128x32xf32, #tpu.memory_space<vmem>>) dst(%dma_wait3A_279 : memref<128x32xf32, #tpu.memory_space<hbm>>)
      tpu.yield
    }) : () -> ()
    %dma_wait3A_175 = arith.constant 4 : i32
    %dma_wait3A_176 = arith.constant 0 : i32
    %dma_wait3A_177 = arith.constant 0 : i32
    %dma_wait3A_178 = tpu.memref_slice %arg6[%dma_wait3A_175, %dma_wait3A_176, %dma_wait3A_177] : memref<8x128x32xf32, #tpu.memory_space<vmem>> -> memref<1x128x32xf32, #tpu.memory_space<vmem>>
    %dma_wait3A_179 = tpu.memref_squeeze %dma_wait3A_178 : memref<1x128x32xf32, #tpu.memory_space<vmem>> -> memref<128x32xf32, #tpu.memory_space<vmem>>
    %dma_wait3A_180 = arith.constant 0 : i32
    %dma_wait3A_181 = arith.constant 0 : i32
    %dma_wait3A_182 = tpu.memref_slice %arg2[%dma_wait3A_180, %dma_wait3A_181] : memref<1000000x32xf32, #tpu.memory_space<hbm>> -> memref<128x32xf32, #tpu.memory_space<hbm>>
    %dma_wait3A_183 = arith.constant 0 : i32
    %dma_wait3A_184 = arith.constant 0 : i32
    %dma_wait3A_185 = tpu.memref_slice %arg6[%dma_wait3A_175, %dma_wait3A_183, %dma_wait3A_184] : memref<8x128x32xf32, #tpu.memory_space<vmem>> -> memref<1x128x32xf32, #tpu.memory_space<vmem>>
    %dma_wait3A_186 = tpu.memref_squeeze %dma_wait3A_185 : memref<1x128x32xf32, #tpu.memory_space<vmem>> -> memref<128x32xf32, #tpu.memory_space<vmem>>
    %dma_wait3A_187 = arith.constant 0 : i32
    %dma_wait3A_188 = arith.constant 0 : i32
    %dma_wait3A_189 = tpu.memref_slice %arg2[%dma_wait3A_187, %dma_wait3A_188] : memref<1000000x32xf32, #tpu.memory_space<hbm>> -> memref<128x32xf32, #tpu.memory_space<hbm>>
    tpu.wait_dma2 semaphore(%arg11 : memref<!tpu.dma_semaphore, #tpu.memory_space<semaphore_mem>>) src(%dma_wait3A_189 : memref<128x32xf32, #tpu.memory_space<hbm>>) dst(%dma_wait3A_186 : memref<128x32xf32, #tpu.memory_space<vmem>>)
    %add3A_190 = arith.constant 25088 : i32
    %add3A_191 = arith.addi %mul3A_4, %add3A_190 : i32
    %run_scoped3A_192 = arith.constant 4 : i32
    "tpu.region"() ({
      %run_scoped3A_247 = tpu.sem_alloc : memref<!tpu.dma_semaphore, #tpu.memory_space<semaphore_mem>>
      %dma_start3A_248 = arith.constant 0 : i32
      %dma_start3A_249 = arith.constant 0 : i32
      %dma_start3A_250 = tpu.memref_slice %arg6[%run_scoped3A_192, %dma_start3A_248, %dma_start3A_249] : memref<8x128x32xf32, #tpu.memory_space<vmem>> -> memref<1x128x32xf32, #tpu.memory_space<vmem>>
      %dma_start3A_251 = tpu.memref_squeeze %dma_start3A_250 : memref<1x128x32xf32, #tpu.memory_space<vmem>> -> memref<128x32xf32, #tpu.memory_space<vmem>>
      %dma_start3A_252 = arith.constant 0 : i32
      %dma_start3A_253 = tpu.memref_slice %arg4[%add3A_191, %dma_start3A_252] : memref<819200x128xf32, #tpu.memory_space<hbm>> -> memref<128x128xf32, #tpu.memory_space<hbm>>
      %dma_start3A_254 = arith.constant 0 : i32
      %dma_start3A_255 = arith.constant 0 : i32
      %dma_start3A_256 = tpu.memref_slice %dma_start3A_253[%dma_start3A_254, %dma_start3A_255] : memref<128x128xf32, #tpu.memory_space<hbm>> -> memref<128x32xf32, #tpu.memory_space<hbm>>
      %dma_start3A_257 = arith.constant 0 : i32
      %dma_start3A_258 = tpu.memref_slice %arg4[%add3A_191, %dma_start3A_257] : memref<819200x128xf32, #tpu.memory_space<hbm>> -> memref<128x128xf32, #tpu.memory_space<hbm>>
      %dma_start3A_259 = arith.constant 0 : i32
      %dma_start3A_260 = arith.constant 0 : i32
      %dma_start3A_261 = tpu.memref_slice %dma_start3A_258[%dma_start3A_259, %dma_start3A_260] : memref<128x128xf32, #tpu.memory_space<hbm>> -> memref<128x32xf32, #tpu.memory_space<hbm>>
      %dma_start3A_262 = arith.constant 0 : i32
      %dma_start3A_263 = arith.constant 0 : i32
      %dma_start3A_264 = tpu.memref_slice %arg6[%run_scoped3A_192, %dma_start3A_262, %dma_start3A_263] : memref<8x128x32xf32, #tpu.memory_space<vmem>> -> memref<1x128x32xf32, #tpu.memory_space<vmem>>
      %dma_start3A_265 = tpu.memref_squeeze %dma_start3A_264 : memref<1x128x32xf32, #tpu.memory_space<vmem>> -> memref<128x32xf32, #tpu.memory_space<vmem>>
      tpu.enqueue_dma source(%dma_start3A_265 : memref<128x32xf32, #tpu.memory_space<vmem>>) target(%dma_start3A_261 : memref<128x32xf32, #tpu.memory_space<hbm>>) target_semaphore(%run_scoped3A_247 : memref<!tpu.dma_semaphore, #tpu.memory_space<semaphore_mem>>)
      %dma_wait3A_266 = arith.constant 0 : i32
      %dma_wait3A_267 = arith.constant 0 : i32
      %dma_wait3A_268 = tpu.memref_slice %arg6[%run_scoped3A_192, %dma_wait3A_266, %dma_wait3A_267] : memref<8x128x32xf32, #tpu.memory_space<vmem>> -> memref<1x128x32xf32, #tpu.memory_space<vmem>>
      %dma_wait3A_269 = tpu.memref_squeeze %dma_wait3A_268 : memref<1x128x32xf32, #tpu.memory_space<vmem>> -> memref<128x32xf32, #tpu.memory_space<vmem>>
      %dma_wait3A_270 = arith.constant 0 : i32
      %dma_wait3A_271 = tpu.memref_slice %arg4[%add3A_191, %dma_wait3A_270] : memref<819200x128xf32, #tpu.memory_space<hbm>> -> memref<128x128xf32, #tpu.memory_space<hbm>>
      %dma_wait3A_272 = arith.constant 0 : i32
      %dma_wait3A_273 = arith.constant 0 : i32
      %dma_wait3A_274 = tpu.memref_slice %dma_wait3A_271[%dma_wait3A_272, %dma_wait3A_273] : memref<128x128xf32, #tpu.memory_space<hbm>> -> memref<128x32xf32, #tpu.memory_space<hbm>>
      %dma_wait3A_275 = arith.constant 0 : i32
      %dma_wait3A_276 = tpu.memref_slice %arg4[%add3A_191, %dma_wait3A_275] : memref<819200x128xf32, #tpu.memory_space<hbm>> -> memref<128x128xf32, #tpu.memory_space<hbm>>
      %dma_wait3A_277 = arith.constant 0 : i32
      %dma_wait3A_278 = arith.constant 0 : i32
      %dma_wait3A_279 = tpu.memref_slice %dma_wait3A_276[%dma_wait3A_277, %dma_wait3A_278] : memref<128x128xf32, #tpu.memory_space<hbm>> -> memref<128x32xf32, #tpu.memory_space<hbm>>
      %dma_wait3A_280 = arith.constant 0 : i32
      %dma_wait3A_281 = arith.constant 0 : i32
      %dma_wait3A_282 = tpu.memref_slice %arg6[%run_scoped3A_192, %dma_wait3A_280, %dma_wait3A_281] : memref<8x128x32xf32, #tpu.memory_space<vmem>> -> memref<1x128x32xf32, #tpu.memory_space<vmem>>
      %dma_wait3A_283 = tpu.memref_squeeze %dma_wait3A_282 : memref<1x128x32xf32, #tpu.memory_space<vmem>> -> memref<128x32xf32, #tpu.memory_space<vmem>>
      tpu.wait_dma2 semaphore(%run_scoped3A_247 : memref<!tpu.dma_semaphore, #tpu.memory_space<semaphore_mem>>) src(%dma_wait3A_283 : memref<128x32xf32, #tpu.memory_space<vmem>>) dst(%dma_wait3A_279 : memref<128x32xf32, #tpu.memory_space<hbm>>)
      tpu.yield
    }) : () -> ()
    %dma_wait3A_193 = arith.constant 5 : i32
    %dma_wait3A_194 = arith.constant 0 : i32
    %dma_wait3A_195 = arith.constant 0 : i32
    %dma_wait3A_196 = tpu.memref_slice %arg6[%dma_wait3A_193, %dma_wait3A_194, %dma_wait3A_195] : memref<8x128x32xf32, #tpu.memory_space<vmem>> -> memref<1x128x32xf32, #tpu.memory_space<vmem>>
    %dma_wait3A_197 = tpu.memref_squeeze %dma_wait3A_196 : memref<1x128x32xf32, #tpu.memory_space<vmem>> -> memref<128x32xf32, #tpu.memory_space<vmem>>
    %dma_wait3A_198 = arith.constant 0 : i32
    %dma_wait3A_199 = arith.constant 0 : i32
    %dma_wait3A_200 = tpu.memref_slice %arg2[%dma_wait3A_198, %dma_wait3A_199] : memref<1000000x32xf32, #tpu.memory_space<hbm>> -> memref<128x32xf32, #tpu.memory_space<hbm>>
    %dma_wait3A_201 = arith.constant 0 : i32
    %dma_wait3A_202 = arith.constant 0 : i32
    %dma_wait3A_203 = tpu.memref_slice %arg6[%dma_wait3A_193, %dma_wait3A_201, %dma_wait3A_202] : memref<8x128x32xf32, #tpu.memory_space<vmem>> -> memref<1x128x32xf32, #tpu.memory_space<vmem>>
    %dma_wait3A_204 = tpu.memref_squeeze %dma_wait3A_203 : memref<1x128x32xf32, #tpu.memory_space<vmem>> -> memref<128x32xf32, #tpu.memory_space<vmem>>
    %dma_wait3A_205 = arith.constant 0 : i32
    %dma_wait3A_206 = arith.constant 0 : i32
    %dma_wait3A_207 = tpu.memref_slice %arg2[%dma_wait3A_205, %dma_wait3A_206] : memref<1000000x32xf32, #tpu.memory_space<hbm>> -> memref<128x32xf32, #tpu.memory_space<hbm>>
    tpu.wait_dma2 semaphore(%arg12 : memref<!tpu.dma_semaphore, #tpu.memory_space<semaphore_mem>>) src(%dma_wait3A_207 : memref<128x32xf32, #tpu.memory_space<hbm>>) dst(%dma_wait3A_204 : memref<128x32xf32, #tpu.memory_space<vmem>>)
    %add3A_208 = arith.constant 25216 : i32
    %add3A_209 = arith.addi %mul3A_4, %add3A_208 : i32
    %run_scoped3A_210 = arith.constant 5 : i32
    "tpu.region"() ({
      %run_scoped3A_247 = tpu.sem_alloc : memref<!tpu.dma_semaphore, #tpu.memory_space<semaphore_mem>>
      %dma_start3A_248 = arith.constant 0 : i32
      %dma_start3A_249 = arith.constant 0 : i32
      %dma_start3A_250 = tpu.memref_slice %arg6[%run_scoped3A_210, %dma_start3A_248, %dma_start3A_249] : memref<8x128x32xf32, #tpu.memory_space<vmem>> -> memref<1x128x32xf32, #tpu.memory_space<vmem>>
      %dma_start3A_251 = tpu.memref_squeeze %dma_start3A_250 : memref<1x128x32xf32, #tpu.memory_space<vmem>> -> memref<128x32xf32, #tpu.memory_space<vmem>>
      %dma_start3A_252 = arith.constant 0 : i32
      %dma_start3A_253 = tpu.memref_slice %arg4[%add3A_209, %dma_start3A_252] : memref<819200x128xf32, #tpu.memory_space<hbm>> -> memref<128x128xf32, #tpu.memory_space<hbm>>
      %dma_start3A_254 = arith.constant 0 : i32
      %dma_start3A_255 = arith.constant 0 : i32
      %dma_start3A_256 = tpu.memref_slice %dma_start3A_253[%dma_start3A_254, %dma_start3A_255] : memref<128x128xf32, #tpu.memory_space<hbm>> -> memref<128x32xf32, #tpu.memory_space<hbm>>
      %dma_start3A_257 = arith.constant 0 : i32
      %dma_start3A_258 = tpu.memref_slice %arg4[%add3A_209, %dma_start3A_257] : memref<819200x128xf32, #tpu.memory_space<hbm>> -> memref<128x128xf32, #tpu.memory_space<hbm>>
      %dma_start3A_259 = arith.constant 0 : i32
      %dma_start3A_260 = arith.constant 0 : i32
      %dma_start3A_261 = tpu.memref_slice %dma_start3A_258[%dma_start3A_259, %dma_start3A_260] : memref<128x128xf32, #tpu.memory_space<hbm>> -> memref<128x32xf32, #tpu.memory_space<hbm>>
      %dma_start3A_262 = arith.constant 0 : i32
      %dma_start3A_263 = arith.constant 0 : i32
      %dma_start3A_264 = tpu.memref_slice %arg6[%run_scoped3A_210, %dma_start3A_262, %dma_start3A_263] : memref<8x128x32xf32, #tpu.memory_space<vmem>> -> memref<1x128x32xf32, #tpu.memory_space<vmem>>
      %dma_start3A_265 = tpu.memref_squeeze %dma_start3A_264 : memref<1x128x32xf32, #tpu.memory_space<vmem>> -> memref<128x32xf32, #tpu.memory_space<vmem>>
      tpu.enqueue_dma source(%dma_start3A_265 : memref<128x32xf32, #tpu.memory_space<vmem>>) target(%dma_start3A_261 : memref<128x32xf32, #tpu.memory_space<hbm>>) target_semaphore(%run_scoped3A_247 : memref<!tpu.dma_semaphore, #tpu.memory_space<semaphore_mem>>)
      %dma_wait3A_266 = arith.constant 0 : i32
      %dma_wait3A_267 = arith.constant 0 : i32
      %dma_wait3A_268 = tpu.memref_slice %arg6[%run_scoped3A_210, %dma_wait3A_266, %dma_wait3A_267] : memref<8x128x32xf32, #tpu.memory_space<vmem>> -> memref<1x128x32xf32, #tpu.memory_space<vmem>>
      %dma_wait3A_269 = tpu.memref_squeeze %dma_wait3A_268 : memref<1x128x32xf32, #tpu.memory_space<vmem>> -> memref<128x32xf32, #tpu.memory_space<vmem>>
      %dma_wait3A_270 = arith.constant 0 : i32
      %dma_wait3A_271 = tpu.memref_slice %arg4[%add3A_209, %dma_wait3A_270] : memref<819200x128xf32, #tpu.memory_space<hbm>> -> memref<128x128xf32, #tpu.memory_space<hbm>>
      %dma_wait3A_272 = arith.constant 0 : i32
      %dma_wait3A_273 = arith.constant 0 : i32
      %dma_wait3A_274 = tpu.memref_slice %dma_wait3A_271[%dma_wait3A_272, %dma_wait3A_273] : memref<128x128xf32, #tpu.memory_space<hbm>> -> memref<128x32xf32, #tpu.memory_space<hbm>>
      %dma_wait3A_275 = arith.constant 0 : i32
      %dma_wait3A_276 = tpu.memref_slice %arg4[%add3A_209, %dma_wait3A_275] : memref<819200x128xf32, #tpu.memory_space<hbm>> -> memref<128x128xf32, #tpu.memory_space<hbm>>
      %dma_wait3A_277 = arith.constant 0 : i32
      %dma_wait3A_278 = arith.constant 0 : i32
      %dma_wait3A_279 = tpu.memref_slice %dma_wait3A_276[%dma_wait3A_277, %dma_wait3A_278] : memref<128x128xf32, #tpu.memory_space<hbm>> -> memref<128x32xf32, #tpu.memory_space<hbm>>
      %dma_wait3A_280 = arith.constant 0 : i32
      %dma_wait3A_281 = arith.constant 0 : i32
      %dma_wait3A_282 = tpu.memref_slice %arg6[%run_scoped3A_210, %dma_wait3A_280, %dma_wait3A_281] : memref<8x128x32xf32, #tpu.memory_space<vmem>> -> memref<1x128x32xf32, #tpu.memory_space<vmem>>
      %dma_wait3A_283 = tpu.memref_squeeze %dma_wait3A_282 : memref<1x128x32xf32, #tpu.memory_space<vmem>> -> memref<128x32xf32, #tpu.memory_space<vmem>>
      tpu.wait_dma2 semaphore(%run_scoped3A_247 : memref<!tpu.dma_semaphore, #tpu.memory_space<semaphore_mem>>) src(%dma_wait3A_283 : memref<128x32xf32, #tpu.memory_space<vmem>>) dst(%dma_wait3A_279 : memref<128x32xf32, #tpu.memory_space<hbm>>)
      tpu.yield
    }) : () -> ()
    %dma_wait3A_211 = arith.constant 6 : i32
    %dma_wait3A_212 = arith.constant 0 : i32
    %dma_wait3A_213 = arith.constant 0 : i32
    %dma_wait3A_214 = tpu.memref_slice %arg6[%dma_wait3A_211, %dma_wait3A_212, %dma_wait3A_213] : memref<8x128x32xf32, #tpu.memory_space<vmem>> -> memref<1x128x32xf32, #tpu.memory_space<vmem>>
    %dma_wait3A_215 = tpu.memref_squeeze %dma_wait3A_214 : memref<1x128x32xf32, #tpu.memory_space<vmem>> -> memref<128x32xf32, #tpu.memory_space<vmem>>
    %dma_wait3A_216 = arith.constant 0 : i32
    %dma_wait3A_217 = arith.constant 0 : i32
    %dma_wait3A_218 = tpu.memref_slice %arg2[%dma_wait3A_216, %dma_wait3A_217] : memref<1000000x32xf32, #tpu.memory_space<hbm>> -> memref<128x32xf32, #tpu.memory_space<hbm>>
    %dma_wait3A_219 = arith.constant 0 : i32
    %dma_wait3A_220 = arith.constant 0 : i32
    %dma_wait3A_221 = tpu.memref_slice %arg6[%dma_wait3A_211, %dma_wait3A_219, %dma_wait3A_220] : memref<8x128x32xf32, #tpu.memory_space<vmem>> -> memref<1x128x32xf32, #tpu.memory_space<vmem>>
    %dma_wait3A_222 = tpu.memref_squeeze %dma_wait3A_221 : memref<1x128x32xf32, #tpu.memory_space<vmem>> -> memref<128x32xf32, #tpu.memory_space<vmem>>
    %dma_wait3A_223 = arith.constant 0 : i32
    %dma_wait3A_224 = arith.constant 0 : i32
    %dma_wait3A_225 = tpu.memref_slice %arg2[%dma_wait3A_223, %dma_wait3A_224] : memref<1000000x32xf32, #tpu.memory_space<hbm>> -> memref<128x32xf32, #tpu.memory_space<hbm>>
    tpu.wait_dma2 semaphore(%arg13 : memref<!tpu.dma_semaphore, #tpu.memory_space<semaphore_mem>>) src(%dma_wait3A_225 : memref<128x32xf32, #tpu.memory_space<hbm>>) dst(%dma_wait3A_222 : memref<128x32xf32, #tpu.memory_space<vmem>>)
    %add3A_226 = arith.constant 25344 : i32
    %add3A_227 = arith.addi %mul3A_4, %add3A_226 : i32
    %run_scoped3A_228 = arith.constant 6 : i32
    "tpu.region"() ({
      %run_scoped3A_247 = tpu.sem_alloc : memref<!tpu.dma_semaphore, #tpu.memory_space<semaphore_mem>>
      %dma_start3A_248 = arith.constant 0 : i32
      %dma_start3A_249 = arith.constant 0 : i32
      %dma_start3A_250 = tpu.memref_slice %arg6[%run_scoped3A_228, %dma_start3A_248, %dma_start3A_249] : memref<8x128x32xf32, #tpu.memory_space<vmem>> -> memref<1x128x32xf32, #tpu.memory_space<vmem>>
      %dma_start3A_251 = tpu.memref_squeeze %dma_start3A_250 : memref<1x128x32xf32, #tpu.memory_space<vmem>> -> memref<128x32xf32, #tpu.memory_space<vmem>>
      %dma_start3A_252 = arith.constant 0 : i32
      %dma_start3A_253 = tpu.memref_slice %arg4[%add3A_227, %dma_start3A_252] : memref<819200x128xf32, #tpu.memory_space<hbm>> -> memref<128x128xf32, #tpu.memory_space<hbm>>
      %dma_start3A_254 = arith.constant 0 : i32
      %dma_start3A_255 = arith.constant 0 : i32
      %dma_start3A_256 = tpu.memref_slice %dma_start3A_253[%dma_start3A_254, %dma_start3A_255] : memref<128x128xf32, #tpu.memory_space<hbm>> -> memref<128x32xf32, #tpu.memory_space<hbm>>
      %dma_start3A_257 = arith.constant 0 : i32
      %dma_start3A_258 = tpu.memref_slice %arg4[%add3A_227, %dma_start3A_257] : memref<819200x128xf32, #tpu.memory_space<hbm>> -> memref<128x128xf32, #tpu.memory_space<hbm>>
      %dma_start3A_259 = arith.constant 0 : i32
      %dma_start3A_260 = arith.constant 0 : i32
      %dma_start3A_261 = tpu.memref_slice %dma_start3A_258[%dma_start3A_259, %dma_start3A_260] : memref<128x128xf32, #tpu.memory_space<hbm>> -> memref<128x32xf32, #tpu.memory_space<hbm>>
      %dma_start3A_262 = arith.constant 0 : i32
      %dma_start3A_263 = arith.constant 0 : i32
      %dma_start3A_264 = tpu.memref_slice %arg6[%run_scoped3A_228, %dma_start3A_262, %dma_start3A_263] : memref<8x128x32xf32, #tpu.memory_space<vmem>> -> memref<1x128x32xf32, #tpu.memory_space<vmem>>
      %dma_start3A_265 = tpu.memref_squeeze %dma_start3A_264 : memref<1x128x32xf32, #tpu.memory_space<vmem>> -> memref<128x32xf32, #tpu.memory_space<vmem>>
      tpu.enqueue_dma source(%dma_start3A_265 : memref<128x32xf32, #tpu.memory_space<vmem>>) target(%dma_start3A_261 : memref<128x32xf32, #tpu.memory_space<hbm>>) target_semaphore(%run_scoped3A_247 : memref<!tpu.dma_semaphore, #tpu.memory_space<semaphore_mem>>)
      %dma_wait3A_266 = arith.constant 0 : i32
      %dma_wait3A_267 = arith.constant 0 : i32
      %dma_wait3A_268 = tpu.memref_slice %arg6[%run_scoped3A_228, %dma_wait3A_266, %dma_wait3A_267] : memref<8x128x32xf32, #tpu.memory_space<vmem>> -> memref<1x128x32xf32, #tpu.memory_space<vmem>>
      %dma_wait3A_269 = tpu.memref_squeeze %dma_wait3A_268 : memref<1x128x32xf32, #tpu.memory_space<vmem>> -> memref<128x32xf32, #tpu.memory_space<vmem>>
      %dma_wait3A_270 = arith.constant 0 : i32
      %dma_wait3A_271 = tpu.memref_slice %arg4[%add3A_227, %dma_wait3A_270] : memref<819200x128xf32, #tpu.memory_space<hbm>> -> memref<128x128xf32, #tpu.memory_space<hbm>>
      %dma_wait3A_272 = arith.constant 0 : i32
      %dma_wait3A_273 = arith.constant 0 : i32
      %dma_wait3A_274 = tpu.memref_slice %dma_wait3A_271[%dma_wait3A_272, %dma_wait3A_273] : memref<128x128xf32, #tpu.memory_space<hbm>> -> memref<128x32xf32, #tpu.memory_space<hbm>>
      %dma_wait3A_275 = arith.constant 0 : i32
      %dma_wait3A_276 = tpu.memref_slice %arg4[%add3A_227, %dma_wait3A_275] : memref<819200x128xf32, #tpu.memory_space<hbm>> -> memref<128x128xf32, #tpu.memory_space<hbm>>
      %dma_wait3A_277 = arith.constant 0 : i32
      %dma_wait3A_278 = arith.constant 0 : i32
      %dma_wait3A_279 = tpu.memref_slice %dma_wait3A_276[%dma_wait3A_277, %dma_wait3A_278] : memref<128x128xf32, #tpu.memory_space<hbm>> -> memref<128x32xf32, #tpu.memory_space<hbm>>
      %dma_wait3A_280 = arith.constant 0 : i32
      %dma_wait3A_281 = arith.constant 0 : i32
      %dma_wait3A_282 = tpu.memref_slice %arg6[%run_scoped3A_228, %dma_wait3A_280, %dma_wait3A_281] : memref<8x128x32xf32, #tpu.memory_space<vmem>> -> memref<1x128x32xf32, #tpu.memory_space<vmem>>
      %dma_wait3A_283 = tpu.memref_squeeze %dma_wait3A_282 : memref<1x128x32xf32, #tpu.memory_space<vmem>> -> memref<128x32xf32, #tpu.memory_space<vmem>>
      tpu.wait_dma2 semaphore(%run_scoped3A_247 : memref<!tpu.dma_semaphore, #tpu.memory_space<semaphore_mem>>) src(%dma_wait3A_283 : memref<128x32xf32, #tpu.memory_space<vmem>>) dst(%dma_wait3A_279 : memref<128x32xf32, #tpu.memory_space<hbm>>)
      tpu.yield
    }) : () -> ()
    %dma_wait3A_229 = arith.constant 7 : i32
    %dma_wait3A_230 = arith.constant 0 : i32
    %dma_wait3A_231 = arith.constant 0 : i32
    %dma_wait3A_232 = tpu.memref_slice %arg6[%dma_wait3A_229, %dma_wait3A_230, %dma_wait3A_231] : memref<8x128x32xf32, #tpu.memory_space<vmem>> -> memref<1x128x32xf32, #tpu.memory_space<vmem>>
    %dma_wait3A_233 = tpu.memref_squeeze %dma_wait3A_232 : memref<1x128x32xf32, #tpu.memory_space<vmem>> -> memref<128x32xf32, #tpu.memory_space<vmem>>
    %dma_wait3A_234 = arith.constant 0 : i32
    %dma_wait3A_235 = arith.constant 0 : i32
    %dma_wait3A_236 = tpu.memref_slice %arg2[%dma_wait3A_234, %dma_wait3A_235] : memref<1000000x32xf32, #tpu.memory_space<hbm>> -> memref<128x32xf32, #tpu.memory_space<hbm>>
    %dma_wait3A_237 = arith.constant 0 : i32
    %dma_wait3A_238 = arith.constant 0 : i32
    %dma_wait3A_239 = tpu.memref_slice %arg6[%dma_wait3A_229, %dma_wait3A_237, %dma_wait3A_238] : memref<8x128x32xf32, #tpu.memory_space<vmem>> -> memref<1x128x32xf32, #tpu.memory_space<vmem>>
    %dma_wait3A_240 = tpu.memref_squeeze %dma_wait3A_239 : memref<1x128x32xf32, #tpu.memory_space<vmem>> -> memref<128x32xf32, #tpu.memory_space<vmem>>
    %dma_wait3A_241 = arith.constant 0 : i32
    %dma_wait3A_242 = arith.constant 0 : i32
    %dma_wait3A_243 = tpu.memref_slice %arg2[%dma_wait3A_241, %dma_wait3A_242] : memref<1000000x32xf32, #tpu.memory_space<hbm>> -> memref<128x32xf32, #tpu.memory_space<hbm>>
    tpu.wait_dma2 semaphore(%arg14 : memref<!tpu.dma_semaphore, #tpu.memory_space<semaphore_mem>>) src(%dma_wait3A_243 : memref<128x32xf32, #tpu.memory_space<hbm>>) dst(%dma_wait3A_240 : memref<128x32xf32, #tpu.memory_space<vmem>>)
    %add3A_244 = arith.constant 25472 : i32
    %add3A_245 = arith.addi %mul3A_4, %add3A_244 : i32
    %run_scoped3A_246 = arith.constant 7 : i32
    "tpu.region"() ({
      %run_scoped3A_247 = tpu.sem_alloc : memref<!tpu.dma_semaphore, #tpu.memory_space<semaphore_mem>>
      %dma_start3A_248 = arith.constant 0 : i32
      %dma_start3A_249 = arith.constant 0 : i32
      %dma_start3A_250 = tpu.memref_slice %arg6[%run_scoped3A_246, %dma_start3A_248, %dma_start3A_249] : memref<8x128x32xf32, #tpu.memory_space<vmem>> -> memref<1x128x32xf32, #tpu.memory_space<vmem>>
      %dma_start3A_251 = tpu.memref_squeeze %dma_start3A_250 : memref<1x128x32xf32, #tpu.memory_space<vmem>> -> memref<128x32xf32, #tpu.memory_space<vmem>>
      %dma_start3A_252 = arith.constant 0 : i32
      %dma_start3A_253 = tpu.memref_slice %arg4[%add3A_245, %dma_start3A_252] : memref<819200x128xf32, #tpu.memory_space<hbm>> -> memref<128x128xf32, #tpu.memory_space<hbm>>
      %dma_start3A_254 = arith.constant 0 : i32
      %dma_start3A_255 = arith.constant 0 : i32
      %dma_start3A_256 = tpu.memref_slice %dma_start3A_253[%dma_start3A_254, %dma_start3A_255] : memref<128x128xf32, #tpu.memory_space<hbm>> -> memref<128x32xf32, #tpu.memory_space<hbm>>
      %dma_start3A_257 = arith.constant 0 : i32
      %dma_start3A_258 = tpu.memref_slice %arg4[%add3A_245, %dma_start3A_257] : memref<819200x128xf32, #tpu.memory_space<hbm>> -> memref<128x128xf32, #tpu.memory_space<hbm>>
      %dma_start3A_259 = arith.constant 0 : i32
      %dma_start3A_260 = arith.constant 0 : i32
      %dma_start3A_261 = tpu.memref_slice %dma_start3A_258[%dma_start3A_259, %dma_start3A_260] : memref<128x128xf32, #tpu.memory_space<hbm>> -> memref<128x32xf32, #tpu.memory_space<hbm>>
      %dma_start3A_262 = arith.constant 0 : i32
      %dma_start3A_263 = arith.constant 0 : i32
      %dma_start3A_264 = tpu.memref_slice %arg6[%run_scoped3A_246, %dma_start3A_262, %dma_start3A_263] : memref<8x128x32xf32, #tpu.memory_space<vmem>> -> memref<1x128x32xf32, #tpu.memory_space<vmem>>
      %dma_start3A_265 = tpu.memref_squeeze %dma_start3A_264 : memref<1x128x32xf32, #tpu.memory_space<vmem>> -> memref<128x32xf32, #tpu.memory_space<vmem>>
      tpu.enqueue_dma source(%dma_start3A_265 : memref<128x32xf32, #tpu.memory_space<vmem>>) target(%dma_start3A_261 : memref<128x32xf32, #tpu.memory_space<hbm>>) target_semaphore(%run_scoped3A_247 : memref<!tpu.dma_semaphore, #tpu.memory_space<semaphore_mem>>)
      %dma_wait3A_266 = arith.constant 0 : i32
      %dma_wait3A_267 = arith.constant 0 : i32
      %dma_wait3A_268 = tpu.memref_slice %arg6[%run_scoped3A_246, %dma_wait3A_266, %dma_wait3A_267] : memref<8x128x32xf32, #tpu.memory_space<vmem>> -> memref<1x128x32xf32, #tpu.memory_space<vmem>>
      %dma_wait3A_269 = tpu.memref_squeeze %dma_wait3A_268 : memref<1x128x32xf32, #tpu.memory_space<vmem>> -> memref<128x32xf32, #tpu.memory_space<vmem>>
      %dma_wait3A_270 = arith.constant 0 : i32
      %dma_wait3A_271 = tpu.memref_slice %arg4[%add3A_245, %dma_wait3A_270] : memref<819200x128xf32, #tpu.memory_space<hbm>> -> memref<128x128xf32, #tpu.memory_space<hbm>>
      %dma_wait3A_272 = arith.constant 0 : i32
      %dma_wait3A_273 = arith.constant 0 : i32
      %dma_wait3A_274 = tpu.memref_slice %dma_wait3A_271[%dma_wait3A_272, %dma_wait3A_273] : memref<128x128xf32, #tpu.memory_space<hbm>> -> memref<128x32xf32, #tpu.memory_space<hbm>>
      %dma_wait3A_275 = arith.constant 0 : i32
      %dma_wait3A_276 = tpu.memref_slice %arg4[%add3A_245, %dma_wait3A_275] : memref<819200x128xf32, #tpu.memory_space<hbm>> -> memref<128x128xf32, #tpu.memory_space<hbm>>
      %dma_wait3A_277 = arith.constant 0 : i32
      %dma_wait3A_278 = arith.constant 0 : i32
      %dma_wait3A_279 = tpu.memref_slice %dma_wait3A_276[%dma_wait3A_277, %dma_wait3A_278] : memref<128x128xf32, #tpu.memory_space<hbm>> -> memref<128x32xf32, #tpu.memory_space<hbm>>
      %dma_wait3A_280 = arith.constant 0 : i32
      %dma_wait3A_281 = arith.constant 0 : i32
      %dma_wait3A_282 = tpu.memref_slice %arg6[%run_scoped3A_246, %dma_wait3A_280, %dma_wait3A_281] : memref<8x128x32xf32, #tpu.memory_space<vmem>> -> memref<1x128x32xf32, #tpu.memory_space<vmem>>
      %dma_wait3A_283 = tpu.memref_squeeze %dma_wait3A_282 : memref<1x128x32xf32, #tpu.memory_space<vmem>> -> memref<128x32xf32, #tpu.memory_space<vmem>>
      tpu.wait_dma2 semaphore(%run_scoped3A_247 : memref<!tpu.dma_semaphore, #tpu.memory_space<semaphore_mem>>) src(%dma_wait3A_283 : memref<128x32xf32, #tpu.memory_space<vmem>>) dst(%dma_wait3A_279 : memref<128x32xf32, #tpu.memory_space<hbm>>)
      tpu.yield
    }) : () -> ()
    return
  }
}

</mosaic_0001>

<sc_bundles>
// kernel: kernel.3.cloned.1.call-start
scs
__scs_entry_jumppad:
0x0: {  	(pc) =	sbr.rel $0x88, $3  }
0x1: {  	(tag) =	ssettag $0x0;
	lr =	simm.s32 $0x1  }
0x2: {  	[smem:$0x3F9F] =	sst lr;
	_ =	strace $0xD0000000  }
0x3: {  	_ = 	snop  }
0x4: {  	_ = 	snop  }
0x5: {  	_ = 	snop  }
0x6: {  	_ = 	snop  }
0x7: {  	_ = 	snop  }
__scs_overlays_trampoline_lowered:
0x8: {  	[smem:$0x3FAE] =	sst s0  }
0x9: {  	[smem:$0x3FAF] =	sst s1  }
0xa: {  	[smem:$0x3FB0] =	sst s2  }
0xb: {  	[smem:$0x3FB1] =	sst s3  }
0xc: {  	[smem:$0x3FB2] =	sst s4  }
0xd: {  	[smem:$0x3FB3] =	sst s5  }
0xe: {  	[smem:$0x3FB4] =	sst s6  }
0xf: {  	[smem:$0x3FB5] =	sst s7  }
0x10: {  	[smem:$0x3FB6] =	sst s8  }
0x11: {  	[smem:$0x3FB7] =	sst s9;
	s0 =	simm.s32 @!p0 $0x0  }
0x12: {  	s1 =	sld [smem:$0x3F9D];
	s0 =	simm.s32 @p0 $0x1  }
0x13: {  	[smem:$0x3FB8] =	sst s0;
	s0 =	simm.s32 @!p1 $0x0  }
0x14: {  	s2 =	sld [smem:$0x3F9C];
	s0 =	simm.s32 @p1 $0x1  }
0x15: {  	[smem:$0x3FB9] =	sst s0;
	s0 =	simm.s32 @!p2 $0x0  }
0x16: {  	s3 =	sld [smem:$0x3FDB];
	s0 =	simm.s32 @p2 $0x1  }
0x17: {  	s4 =	simm.s32 $0x1BF5;
	[smem:$0x3FBB] =	sst s0  }
0x18: {  	s0 =	sld [smem:$0x3F9E];
	_ =	swait.ge [sflag:s4], $0x0  }
0x19: {  	s7 =	sld [smem:$0x3F9F]  }
0x1a: {  	s8 =	sadd.s32 $0xFFFFE003, lr  }
0x1b: {  	s9 =	sadd.s32 $0xFFFFFEF7, lr;
	s5 =	simm.s32 $0xFFFFFFFF;
	p2 =	slt.u32 s8, $0xFFFFF086  }
0x1c: {  	p1 =	slt.u32 s9, $0xF7A;
	s5 =	simm.s32 @!p2 $0x0  }
0x1d: {  	s5 =	simm.s32 @p1 $0x1;
	p0 =	seq.s32 s7, s2  }
0x1e: {  	s7 =	smul.u32 @!p0 $0xF7A, s2;
	p2 =	seq.s32 @!p0 s5, $0x0  }
0x1f: {  	s9 =	smul.u32 $0xF7A, s1;
	s8 =	simm.s32 @!p0 $0x1BF5;
	p2 =	por !p2, p0  }
0x20: {  	[sflag:s8] =	ssyncset.s32 @!p0 $0xFFFFF086;
	s6 =	sadd.s32 @!p0 s3, s7;
	s7 =	simm.s32 @!p0 $0x108  }
0x21: {  	s3 =	sadd.s32 s3, s9;
	s6 =	sadd.s32 @!p0 $0x88, s6;
	s7 =	simm.s32 @p2 $0x1082  }
0x22: {  	[simem:s7], [sflag:s8] =	dma.local @!p0 [hbm:s6], $0xF7A  }
0x23: {  	s9 =	sor.u32 $0xD0000000, s2;
	s6 =	simm.s32 $0x108;
	_ =	swait.ge @!p0 [sflag:s8], $0x0  }
0x24: {  	s3 =	sadd.s32 $0x88, s3;
	s6 =	simm.s32 @!p1 $0x1082;
	[sflag:s4] =	ssyncset.s32 $0xFFFFF086  }
0x25: {  	[simem:s6], [sflag:s4] =	dma.local [hbm:s3], $0xF7A  }
0x26: {  	[smem:$0x3F9F] =	sst s1;
	(tag) =	ssettag s2;
	_ =	strace s9  }
0x27: {  	s1 =	sld [smem:$0x3FAF]  }
0x28: {  	s2 =	sld [smem:$0x3FB0]  }
0x29: {  	s4 =	sld [smem:$0x3FB2]  }
0x2a: {  	p0 =	seq.s32 s5, $0x0;
	s5 =	sld [smem:$0x3FB3]  }
0x2b: {  	s6 =	sld [smem:$0x3FB4]  }
0x2c: {  	s7 =	sld [smem:$0x3FB5]  }
0x2d: {  	s3 =	simm.s32 $0x108;
	s8 =	sld [smem:$0x3FB6]  }
0x2e: {  	s3 =	simm.s32 @!p0 $0x1082;
	s9 =	sld [smem:$0x3FB7]  }
0x2f: {  	lr =	sadd.s32 s0, s3;
	s0 =	sld [smem:$0x3FAE]  }
0x30: {  	s3 =	sld [smem:$0x3FB1]  }
0x31: {  	[smem:$0x3FBA] =	sst s10  }
0x32: {  	s10 =	sld [smem:$0x3FB8];
	_ =	sdelay $0x3  }
0x33: {  	p0 =	seq.s32 s10, $0x1;
	s10 =	sld [smem:$0x3FBA];
	_ =	sdelay $0x3  }
0x34: {  	[smem:$0x3FBA] =	sst s10  }
0x35: {  	s10 =	sld [smem:$0x3FB9];
	_ =	sdelay $0x3  }
0x36: {  	p1 =	seq.s32 s10, $0x1;
	s10 =	sld [smem:$0x3FBA];
	_ =	sdelay $0x3  }
0x37: {  	[smem:$0x3FBA] =	sst s10  }
0x38: {  	s10 =	sld [smem:$0x3FBB]  }
0x39: {  	_ = 	snop;
	(pc) =	sbr.ind lr, $3  }
0x3a: {  	_ = 	snop  }
0x3b: {  	_ = 	snop  }
0x3c: {  	p2 =	seq.s32 s10, $0x1;
	s10 =	sld [smem:$0x3FBA]  }
0x3d: {  	_ =	shalt  }
0x3e: {  	_ =	shalt  }
0x3f: {  	_ =	shalt  }
0x40: {  	_ =	shalt  }
0x41: {  	_ =	shalt  }
0x42: {  	_ =	shalt  }
0x43: {  	_ =	shalt  }
0x44: {  	_ =	shalt  }
0x45: {  	_ =	shalt  }
0x46: {  	_ =	shalt  }
0x47: {  	_ =	shalt  }
0x48: {  	_ =	shalt  }
0x49: {  	_ =	shalt  }
0x4a: {  	_ =	shalt  }
0x4b: {  	_ =	shalt  }
0x4c: {  	_ =	shalt  }
0x4d: {  	_ =	shalt  }
0x4e: {  	_ =	shalt  }
0x4f: {  	_ =	shalt  }
0x50: {  	_ =	shalt  }
0x51: {  	_ =	shalt  }
0x52: {  	_ =	shalt  }
0x53: {  	_ =	shalt  }
0x54: {  	_ =	shalt  }
0x55: {  	_ =	shalt  }
0x56: {  	_ =	shalt  }
0x57: {  	_ =	shalt  }
0x58: {  	_ =	shalt  }
0x59: {  	_ =	shalt  }
0x5a: {  	_ =	shalt  }
0x5b: {  	_ =	shalt  }
0x5c: {  	_ =	shalt  }
0x5d: {  	_ =	shalt  }
0x5e: {  	_ =	shalt  }
0x5f: {  	_ =	shalt  }
0x60: {  	_ =	shalt  }
0x61: {  	_ =	shalt  }
0x62: {  	_ =	shalt  }
0x63: {  	_ =	shalt  }
0x64: {  	_ =	shalt  }
0x65: {  	_ =	shalt  }
0x66: {  	_ =	shalt  }
0x67: {  	_ =	shalt  }
0x68: {  	_ =	shalt  }
0x69: {  	_ =	shalt  }
0x6a: {  	_ =	shalt  }
0x6b: {  	_ =	shalt  }
0x6c: {  	_ =	shalt  }
0x6d: {  	_ =	shalt  }
0x6e: {  	_ =	shalt  }
0x6f: {  	_ =	shalt  }
0x70: {  	_ =	shalt  }
0x71: {  	_ =	shalt  }
0x72: {  	_ =	shalt  }
0x73: {  	_ =	shalt  }
0x74: {  	_ =	shalt  }
0x75: {  	_ =	shalt  }
0x76: {  	_ =	shalt  }
0x77: {  	_ =	shalt  }
0x78: {  	_ =	shalt  }
0x79: {  	_ =	shalt  }
0x7a: {  	_ =	shalt  }
0x7b: {  	_ =	shalt  }
0x7c: {  	_ =	shalt  }
0x7d: {  	_ =	shalt  }
0x7e: {  	_ =	shalt  }
0x7f: {  	_ =	shalt  }
0x80: {  	_ =	shalt  }
0x81: {  	_ =	shalt  }
0x82: {  	_ =	shalt  }
0x83: {  	_ =	shalt  }
0x84: {  	_ =	shalt  }
0x85: {  	_ =	shalt  }
0x86: {  	_ =	shalt  }
0x87: {  	_ =	shalt  }
.Lfunc_end0:
.L_simem_size_0:
called_computation.1_lowered:
.L_overlay_start_0:
0x88: {  	s2 =	sld [smem:$0x3FD9]  }
0x89: {  	s3 =	sld [smem:$0x3FFE];
	_ =	sdelay $0x1  }
0x8a: {  	s1 =	srdreg.scid  }
0x8b: {  	s0 =	sand.u32 $0x1, s1  }
0x8c: {  	s17 =	sshll.u32 s0, $0xA;
	s2 =	sadd.s32 s3, s2  }
0x8d: {  	s2 =	sadd.s32 s2, s17  }
0x8e: {  	[smem:$0x3FC6] =	sst s2  }
0x8f: {  	_ = 	snop  }
0x90: {  	s2 =	sld [smem:$0x3FD0];
	(tm) =	ssettm $0x1  }
0x91: {  	s18 =	sld [smem:$0x3FFB];
	_ =	sdelay $0x3  }
0x92: {  	_ =	strace s18  }
0x93: {  	s3 =	sld [smem:$0x3FFC];
	_ =	sdelay $0x3  }
0x94: {  	_ =	strace s3  }
0x95: {  	s3 =	sld [smem:$0x3FFD];
	_ =	sdelay $0x3  }
0x96: {  	_ =	strace s3  }
0x97: {  	_ =	strace $0x8FFFFFFF  }
0x98: {  	s19 =	sld [smem:$0x3FDB];
	_ =	sdelay $0x1  }
0x99: {  	s4 =	simm.s32 $_scs_section_size  }
0x9a: {  	s5 =	simm.s32 $_size__tile_overlayer_lowered;
	s6 =	simm.s32 $_tile_overlayer_lowered  }
0x9b: {  	s22 =	simm.s32 $0x1BFF;
	s21 =	sshll.u32 s6, $0x1;
	s3 =	sadd.s32 s4, s19  }
0x9c: {  	s7 =	simm.s32 $0x0;
	s20 =	sshll.u32 s5, $0x1;
	s5 =	sadd.s32 s21, s3  }
0x9d: {  	[timem:s7], [sflag:s22] =	dma.local [hbm:s5], s20  }
0x9e: {  	_ =	swait.ge [sflag:s22], s20  }
0x9f: {  	s4 =	ssub.s32 $0x0, s20;
	[sflag:s22] =	ssyncset.done $0x0  }
0xa0: {  	[sflag:s22] =	ssyncadd.s32 s4;
	_ =	sdelay $0x1  }
0xa1: {  	s23 =	simm.s32 $0x1B8B  }
0xa2: {  	_ =	swait.ge [sflag:s23], $0x1  }
0xa3: {  	[sflag:s23] =	ssyncset.done $0x0  }
0xa4: {  	s25 =	simm.s32 $0x1B8E;
	s24 =	sld [smem:$0x3FFE];
	[sflag:s23] =	ssyncadd.s32 $0xFFFFFFFF  }
0xa5: {  	s26 =	simm.s32 $execute0_lowered;
	[smem:$0x3FD2] =	sst s25  }
0xa6: {  	s5 =	sshll.u32 s26, $0x1;
	_ =	strace $0x80000046;
	[dreg:$0x1] =	wrdreg $0xFFFFFFFF  }
0xa7: {  	s28 =	simm.s32 $_size_execute0_lowered;
	s3 =	sadd.s32 s3, s5;
	[dreg:$0x0] =	wrdreg $0x0  }
0xa8: {  	s5 =	sshll.u32 s28, $0x1;
	[dreg:$0x2] =	wrdreg s3  }
0xa9: {  	[dreg:$0x3] =	wrdreg s5  }
0xaa: {  	[dreg:$0x4] =	wrdreg $0xC0  }
0xab: {  	_ =	task [dreg:s7], $0x5FFFF  }
0xac: {  	[dreg:$0x1] =	wrdreg $0xFFFFFFFF  }
0xad: {  	[dreg:$0x0] =	wrdreg $0x60  }
0xae: {  	[dreg:$0x2] =	wrdreg s24  }
0xaf: {  	[dreg:$0x3] =	wrdreg s2  }
0xb0: {  	[dreg:$0x4] =	wrdreg $0x9  }
0xb1: {  	_ =	task.clear_ibuf [dreg:s7], $0x5FFFF;
	_ =	strace $0x90000046  }
0xb2: {  	s29 =	simm.s32 $0x9;
	_ =	strace $0x80000048  }
0xb3: {  	_ =	swait.ge [sflag:s29], $0x1  }
0xb4: {  	[sflag:s29] =	ssyncadd.s32 $0xFFFFFFFF  }
0xb5: {  	_ =	strace $0x90000048  }
0xb6: {  	_ =	sfence  }
0xb7: {  	s30 =	sld [smem:$0x0];
	_ =	sdelay $0x2  }
0xb8: {  	s31 =	sshll.u32 s1, $0xD;
	s1 =	sshrl.u32 s1, $0x2  }
0xb9: {  	s3 =	sand.u32 $0x4000, s31;
	s1 =	sadd.s32 s1, s30  }
0xba: {  	s0 =	sor.u32 s3, s0;
	s1 =	sshll.u32 s1, $0x11  }
0xbb: {  	s0 =	sor.u32 s1, s0  }
0xbc: {  	s0 =	sadd.s32 $0x8F2B, s0  }
0xbd: {  	[sflag:s0] =	ssyncadd.remote.s32 $0x1  }
0xbe: {  	_ =	sfence.sel $0xFFFF  }
0xbf: {  	[dreg:$0x0] =	wrdreg $0xFFFFFFFF;
	(pc) =	sbr.abs _section_cstart, $3  }
0xc0: {  	[dreg:$0x1] =	wrdreg $0xFFFFFFFF  }
0xc1: {  	_ =	task.clear_ibuf [dreg:s7], $0x2FFFF;
	_ =	strace $0x9FFFFFFF  }
0xc2: {  	(tm) =	ssettm $0x7FFFFFFF  }
0xc3: {  	_ =	shalt  }
tec
execute0_lowered:
.L_overlay_start_1:
0x0: {  	(tag) =	ssettag $0x1  }
0x1: {  	s0 =	srdreg.scid;
	s2 =	rddreg [dreg:$0x0]  }
0x2: {  	s9 =	stileid.u32;
	s4 =	rddreg [dreg:$0x1]  }
0x3: {  	s3 =	simm.s32 $0x0;
	s14 =	simm.s32 $0x9;
	s15 =	simm.s32 $0x80  }
0x4: {  	s28 =	simm.s32 $0xC400;
	s30 =	simm.s32 $0xD400;
	s31 =	simm.s32 $0x1  }
0x5: {  	s0 =	sand.u32 $0x1, s0;
	s1 =	sshll.u32 s9, $0x1;
	s6 =	smul.u32 $0x640000, s9  }
0x6: {  	s29 =	simm.s32 $0x8;
	s9 =	smul.u32 $0xC800, s9;
	s1 =	sor.u32 s0, s1  }
0x7: {  	[smem:$0x7FF] =	sst s3;
	s3 =	sadd.s32 $0xF42E00, s2;
	s5 =	smul.u32 $0xC80, s1  }
0x8: {  	s2 =	sadd.s32 $0xA00, s2;
	s8 =	ssub.s32 $0x2, s0;
	s1 =	smul.u32 $0x320000, s1  }
0x9: {  	_ =	strace $0x80000047;
	s7 =	smul.u32 $0x320000, s0;
	s10 =	sshrl.u32 s8, $0x1  }
0xa: {  	s0 =	smul.u32 $0x6400, s0;
	s13 =	ssub.s32 s8, s10;
	s1 =	sshrl.u32 s1, $0x3  }
0xb: {  	s16 =	sadd.s32 s7, s6;
	s4 =	sadd.s32 s4, s5;
	s1 =	sadd.s32 s2, s1  }
0xc: {  	s0 =	sadd.s32 s0, s9;
	[dreg:$0xb] =	wrdreg s4;
	s17 =	sadd.s32 $0x60000, s1  }
0xd: {  	s0 =	sshll.u32 s0, $0x4;
	s18 =	sadd.s32 $0x60800, s1;
	[dreg:$0xc] =	wrdreg s17  }
0xe: {  	s4 =	sshrl.u32 s16, $0x3;
	s19 =	sadd.s32 $0x61000, s1;
	[dreg:$0xd] =	wrdreg s18  }
0xf: {  	s13 =	smax.u32 s13, $0x1;
	s4 =	sadd.s32 s4, s2;
	[dreg:$0xe] =	wrdreg s19  }
0x10: {  	s0 =	sadd.s32 s0, s2;
	s21 =	sadd.s32 $0x61800, s1;
	[dreg:$0x3] =	wrdreg s4  }
0x11: {  	s16 =	simm.s32 $0x6400;
	s20 =	sadd.s32 $0x3800, s0;
	[dreg:$0xf] =	wrdreg s21  }
0x12: {  	s22 =	sadd.s32 $0x3000, s0;
	s9 =	sadd.s32 $0x62000, s1;
	[dreg:$0x4] =	wrdreg s20  }
0x13: {  	s23 =	sadd.s32 $0x2800, s0;
	s10 =	sadd.s32 $0x62800, s1;
	[dreg:$0x5] =	wrdreg s22  }
0x14: {  	s24 =	sadd.s32 $0x2000, s0;
	s11 =	sadd.s32 $0x63000, s1;
	[dreg:$0x6] =	wrdreg s23  }
0x15: {  	s25 =	sadd.s32 $0x1800, s0;
	s12 =	sadd.s32 $0x63800, s1;
	[dreg:$0x7] =	wrdreg s24  }
0x16: {  	s26 =	sadd.s32 $0x1000, s0;
	s0 =	sadd.s32 $0x800, s0;
	[dreg:$0x8] =	wrdreg s25  }
0x17: {  	s1 =	simm.s32 $0x20;
	s2 =	simm.s32 $0x0;
	[dreg:$0x9] =	wrdreg s26  }
0x18: {  	[dreg:$0xa] =	wrdreg s0;
	s17 =	simm.s32 $0x7400;
	s19 =	simm.s32 $0x8400  }
0x19: {  	s21 =	simm.s32 $0x9400;
	s23 =	simm.s32 $0xA400;
	s25 =	simm.s32 $0xB400  }
0x1a: {  	s0 =	simm.s32 $0x2;
	s18 =	simm.s32 $0x3;
	s20 =	simm.s32 $0x4  }
0x1b: {  	s22 =	simm.s32 $0x5;
	s24 =	simm.s32 $0x6;
	s26 =	simm.s32 $0x7  }
.LBB2_1:
0x1c: {  	s4 =	simm.s32 $0x0;
	s5 =	rddreg [dreg:$0xb]  }
0x1d: {  	[tilespmem:s4], [sflag:$0x9] =	stream.linear.gather [hbm4b:s5+s4], $0x6400, $0x38;
	[tilespmem:$0xE400] =	vst v63  }
0x1e: {  	_ =	swait.ge [sflag:s14], $0x6400  }
0x1f: {  	[sflag:s14] =	ssyncset.done $0x0  }
0x20: {  	[sflag:s14] =	ssyncadd.s32 $0xFFFF9C00  }
0x21: {  	[tilespmem:s16], [sflag:$0x1] =	stream.indirect.gather [hbm4b:s3+s15], $0x20, s4, s15, $0xb8;
	[tilespmem:$0xE400] =	vst v63  }
0x22: {  	_ = 	snop  }
0x23: {  	[tilespmem:s17], [sflag:$0x2] =	stream.indirect.gather [hbm4b:s3+s15], $0x20, s15, s15, $0xb8;
	[tilespmem:$0xE400] =	vst v63  }
0x24: {  	s8 =	simm.s32 $0x100  }
0x25: {  	[tilespmem:s19], [sflag:$0x3] =	stream.indirect.gather [hbm4b:s3+s15], $0x20, s8, s15, $0xb8;
	[tilespmem:$0xE400] =	vst v63  }
0x26: {  	s5 =	simm.s32 $0x180  }
0x27: {  	[tilespmem:s21], [sflag:$0x4] =	stream.indirect.gather [hbm4b:s3+s15], $0x20, s5, s15, $0xb8;
	[tilespmem:$0xE400] =	vst v63  }
0x28: {  	s6 =	simm.s32 $0x200  }
0x29: {  	[tilespmem:s23], [sflag:$0x5] =	stream.indirect.gather [hbm4b:s3+s15], $0x20, s6, s15, $0xb8;
	[tilespmem:$0xE400] =	vst v63  }
0x2a: {  	s7 =	simm.s32 $0x280  }
0x2b: {  	[tilespmem:s25], [sflag:$0x6] =	stream.indirect.gather [hbm4b:s3+s15], $0x20, s7, s15, $0xb8;
	[tilespmem:$0xE400] =	vst v63  }
0x2c: {  	s8 =	simm.s32 $0x300  }
0x2d: {  	[tilespmem:s28], [sflag:$0x7] =	stream.indirect.gather [hbm4b:s3+s15], $0x20, s8, s15, $0xb8;
	[tilespmem:$0xE400] =	vst v63  }
0x2e: {  	s5 =	simm.s32 $0x380  }
0x2f: {  	[tilespmem:s30], [sflag:$0x8] =	stream.indirect.gather [hbm4b:s3+s15], $0x20, s5, s15, $0xb8;
	[tilespmem:$0xE400] =	vst v63  }
0x30: {  	_ =	swait.ge [sflag:s31], $0x1000  }
0x31: {  	s6 =	rddreg [dreg:$0x3];
	[sflag:s31] =	ssyncset.done $0x0  }
0x32: {  	[sflag:s31] =	ssyncadd.s32 $0xFFFFF000;
	s4 =	sadd.s32 $0x0, s6  }
0x33: {  	[hbm4b:s4+s1] =	stream.strided.scatter [tilespmem:s16], [sflag:$0x9], $0x1000, s15, s1, $0x38;
	[tilespmem:$0xE400] =	vst v63  }
0x34: {  	_ =	swait.ge [sflag:s14], $0x1000  }
0x35: {  	[sflag:s14] =	ssyncset.done $0x0  }
0x36: {  	s7 =	simm.s32 $0x400;
	[sflag:s14] =	ssyncadd.s32 $0xFFFFF000  }
0x37: {  	[tilespmem:s16], [sflag:$0x1] =	stream.indirect.gather [hbm4b:s3+s15], $0x20, s7, s15, $0xb8;
	[tilespmem:$0xE400] =	vst v63  }
0x38: {  	_ =	swait.ge [sflag:s0], $0x1000  }
0x39: {  	s8 =	rddreg [dreg:$0xa];
	[sflag:s0] =	ssyncset.done $0x0  }
0x3a: {  	[sflag:s0] =	ssyncadd.s32 $0xFFFFF000;
	s4 =	sadd.s32 $0x0, s8  }
0x3b: {  	[hbm4b:s4+s1] =	stream.strided.scatter [tilespmem:s17], [sflag:$0x9], $0x1000, s15, s1, $0x38;
	[tilespmem:$0xE400] =	vst v63  }
0x3c: {  	_ =	swait.ge [sflag:s14], $0x1000  }
0x3d: {  	[sflag:s14] =	ssyncset.done $0x0  }
0x3e: {  	s5 =	simm.s32 $0x480;
	[sflag:s14] =	ssyncadd.s32 $0xFFFFF000  }
0x3f: {  	[tilespmem:s17], [sflag:$0x2] =	stream.indirect.gather [hbm4b:s3+s15], $0x20, s5, s15, $0xb8;
	[tilespmem:$0xE400] =	vst v63  }
0x40: {  	_ =	swait.ge [sflag:s18], $0x1000  }
0x41: {  	s6 =	rddreg [dreg:$0x9];
	[sflag:s18] =	ssyncset.done $0x0  }
0x42: {  	[sflag:s18] =	ssyncadd.s32 $0xFFFFF000;
	s4 =	sadd.s32 $0x0, s6  }
0x43: {  	[hbm4b:s4+s1] =	stream.strided.scatter [tilespmem:s19], [sflag:$0x9], $0x1000, s15, s1, $0x38;
	[tilespmem:$0xE400] =	vst v63  }
0x44: {  	_ =	swait.ge [sflag:s14], $0x1000  }
0x45: {  	[sflag:s14] =	ssyncset.done $0x0  }
0x46: {  	s7 =	simm.s32 $0x500;
	[sflag:s14] =	ssyncadd.s32 $0xFFFFF000  }
0x47: {  	[tilespmem:s19], [sflag:$0x3] =	stream.indirect.gather [hbm4b:s3+s15], $0x20, s7, s15, $0xb8;
	[tilespmem:$0xE400] =	vst v63  }
0x48: {  	_ =	swait.ge [sflag:s20], $0x1000  }
0x49: {  	s8 =	rddreg [dreg:$0x8];
	[sflag:s20] =	ssyncset.done $0x0  }
0x4a: {  	[sflag:s20] =	ssyncadd.s32 $0xFFFFF000;
	s4 =	sadd.s32 $0x0, s8  }
0x4b: {  	[hbm4b:s4+s1] =	stream.strided.scatter [tilespmem:s21], [sflag:$0x9], $0x1000, s15, s1, $0x38;
	[tilespmem:$0xE400] =	vst v63  }
0x4c: {  	_ =	swait.ge [sflag:s14], $0x1000  }
0x4d: {  	[sflag:s14] =	ssyncset.done $0x0  }
0x4e: {  	s5 =	simm.s32 $0x580;
	[sflag:s14] =	ssyncadd.s32 $0xFFFFF000  }
0x4f: {  	[tilespmem:s21], [sflag:$0x4] =	stream.indirect.gather [hbm4b:s3+s15], $0x20, s5, s15, $0xb8;
	[tilespmem:$0xE400] =	vst v63  }
0x50: {  	_ =	swait.ge [sflag:s22], $0x1000  }
0x51: {  	s6 =	rddreg [dreg:$0x7];
	[sflag:s22] =	ssyncset.done $0x0  }
0x52: {  	[sflag:s22] =	ssyncadd.s32 $0xFFFFF000;
	s4 =	sadd.s32 $0x0, s6  }
0x53: {  	[hbm4b:s4+s1] =	stream.strided.scatter [tilespmem:s23], [sflag:$0x9], $0x1000, s15, s1, $0x38;
	[tilespmem:$0xE400] =	vst v63  }
0x54: {  	_ =	swait.ge [sflag:s14], $0x1000  }
0x55: {  	[sflag:s14] =	ssyncset.done $0x0  }
0x56: {  	s7 =	simm.s32 $0x600;
	[sflag:s14] =	ssyncadd.s32 $0xFFFFF000  }
0x57: {  	[tilespmem:s23], [sflag:$0x5] =	stream.indirect.gather [hbm4b:s3+s15], $0x20, s7, s15, $0xb8;
	[tilespmem:$0xE400] =	vst v63  }
0x58: {  	_ =	swait.ge [sflag:s24], $0x1000  }
0x59: {  	s8 =	rddreg [dreg:$0x6];
	[sflag:s24] =	ssyncset.done $0x0  }
0x5a: {  	[sflag:s24] =	ssyncadd.s32 $0xFFFFF000;
	s4 =	sadd.s32 $0x0, s8  }
0x5b: {  	[hbm4b:s4+s1] =	stream.strided.scatter [tilespmem:s25], [sflag:$0x9], $0x1000, s15, s1, $0x38;
	[tilespmem:$0xE400] =	vst v63  }
0x5c: {  	_ =	swait.ge [sflag:s14], $0x1000  }
0x5d: {  	[sflag:s14] =	ssyncset.done $0x0  }
0x5e: {  	s5 =	simm.s32 $0x680;
	[sflag:s14] =	ssyncadd.s32 $0xFFFFF000  }
0x5f: {  	[tilespmem:s25], [sflag:$0x6] =	stream.indirect.gather [hbm4b:s3+s15], $0x20, s5, s15, $0xb8;
	[tilespmem:$0xE400] =	vst v63  }
0x60: {  	_ =	swait.ge [sflag:s26], $0x1000  }
0x61: {  	s6 =	rddreg [dreg:$0x5];
	[sflag:s26] =	ssyncset.done $0x0  }
0x62: {  	[sflag:s26] =	ssyncadd.s32 $0xFFFFF000;
	s4 =	sadd.s32 $0x0, s6  }
0x63: {  	[hbm4b:s4+s1] =	stream.strided.scatter [tilespmem:s28], [sflag:$0x9], $0x1000, s15, s1, $0x38;
	[tilespmem:$0xE400] =	vst v63  }
0x64: {  	_ =	swait.ge [sflag:s14], $0x1000  }
0x65: {  	[sflag:s14] =	ssyncset.done $0x0  }
0x66: {  	s7 =	simm.s32 $0x700;
	[sflag:s14] =	ssyncadd.s32 $0xFFFFF000  }
0x67: {  	[tilespmem:s28], [sflag:$0x7] =	stream.indirect.gather [hbm4b:s3+s15], $0x20, s7, s15, $0xb8;
	[tilespmem:$0xE400] =	vst v63  }
0x68: {  	_ =	swait.ge [sflag:s29], $0x1000  }
0x69: {  	s8 =	rddreg [dreg:$0x4];
	[sflag:s29] =	ssyncset.done $0x0  }
0x6a: {  	[sflag:s29] =	ssyncadd.s32 $0xFFFFF000;
	s4 =	sadd.s32 $0x0, s8  }
0x6b: {  	[hbm4b:s4+s1] =	stream.strided.scatter [tilespmem:s30], [sflag:$0x9], $0x1000, s15, s1, $0x38;
	[tilespmem:$0xE400] =	vst v63  }
0x6c: {  	_ =	swait.ge [sflag:s14], $0x1000  }
0x6d: {  	s5 =	simm.s32 $0x4000;
	[sflag:s14] =	ssyncset.done $0x0  }
0x6e: {  	s6 =	simm.s32 $0xB80;
	s4 =	simm.s32 $0x780;
	[sflag:s14] =	ssyncadd.s32 $0xFFFFF000  }
.LBB2_2:
0x6f: {  	[tilespmem:s30], [sflag:$0x8] =	stream.indirect.gather [hbm4b:s3+s15], $0x20, s4, s15, $0xb8;
	[tilespmem:$0xE400] =	vst v63  }
0x70: {  	_ =	swait.ge [sflag:s31], $0x1000  }
0x71: {  	s7 =	smov.u32 s5;
	s8 =	rddreg [dreg:$0x3];
	[sflag:s31] =	ssyncset.done $0x0  }
0x72: {  	[sflag:s31] =	ssyncadd.s32 $0xFFFFF000;
	s8 =	sadd.s32 s7, s8  }
0x73: {  	[hbm4b:s8+s1] =	stream.strided.scatter [tilespmem:s16], [sflag:$0x9], $0x1000, s15, s1, $0x38;
	[tilespmem:$0xE400] =	vst v63  }
0x74: {  	_ =	swait.ge [sflag:s14], $0x1000  }
0x75: {  	[sflag:s14] =	ssyncset.done $0x0  }
0x76: {  	s8 =	sadd.s32 $0xFFFFFC80, s6;
	[sflag:s14] =	ssyncadd.s32 $0xFFFFF000  }
0x77: {  	[tilespmem:s16], [sflag:$0x1] =	stream.indirect.gather [hbm4b:s3+s15], $0x20, s8, s15, $0xb8;
	[tilespmem:$0xE400] =	vst v63  }
0x78: {  	_ =	swait.ge [sflag:s0], $0x1000  }
0x79: {  	s8 =	rddreg [dreg:$0xa];
	[sflag:s0] =	ssyncset.done $0x0  }
0x7a: {  	[sflag:s0] =	ssyncadd.s32 $0xFFFFF000;
	s8 =	sadd.s32 s7, s8  }
0x7b: {  	[hbm4b:s8+s1] =	stream.strided.scatter [tilespmem:s17], [sflag:$0x9], $0x1000, s15, s1, $0x38;
	[tilespmem:$0xE400] =	vst v63  }
0x7c: {  	_ =	swait.ge [sflag:s14], $0x1000  }
0x7d: {  	[sflag:s14] =	ssyncset.done $0x0  }
0x7e: {  	s8 =	sadd.s32 $0xFFFFFD00, s6;
	[sflag:s14] =	ssyncadd.s32 $0xFFFFF000  }
0x7f: {  	[tilespmem:s17], [sflag:$0x2] =	stream.indirect.gather [hbm4b:s3+s15], $0x20, s8, s15, $0xb8;
	[tilespmem:$0xE400] =	vst v63  }
0x80: {  	_ =	swait.ge [sflag:s18], $0x1000  }
0x81: {  	s8 =	rddreg [dreg:$0x9];
	[sflag:s18] =	ssyncset.done $0x0  }
0x82: {  	[sflag:s18] =	ssyncadd.s32 $0xFFFFF000;
	s8 =	sadd.s32 s7, s8  }
0x83: {  	[hbm4b:s8+s1] =	stream.strided.scatter [tilespmem:s19], [sflag:$0x9], $0x1000, s15, s1, $0x38;
	[tilespmem:$0xE400] =	vst v63  }
0x84: {  	_ =	swait.ge [sflag:s14], $0x1000  }
0x85: {  	[sflag:s14] =	ssyncset.done $0x0  }
0x86: {  	s8 =	sadd.s32 $0xFFFFFD80, s6;
	[sflag:s14] =	ssyncadd.s32 $0xFFFFF000  }
0x87: {  	[tilespmem:s19], [sflag:$0x3] =	stream.indirect.gather [hbm4b:s3+s15], $0x20, s8, s15, $0xb8;
	[tilespmem:$0xE400] =	vst v63  }
0x88: {  	_ =	swait.ge [sflag:s20], $0x1000  }
0x89: {  	s8 =	rddreg [dreg:$0x8];
	[sflag:s20] =	ssyncset.done $0x0  }
0x8a: {  	[sflag:s20] =	ssyncadd.s32 $0xFFFFF000;
	s8 =	sadd.s32 s7, s8  }
0x8b: {  	[hbm4b:s8+s1] =	stream.strided.scatter [tilespmem:s21], [sflag:$0x9], $0x1000, s15, s1, $0x38;
	[tilespmem:$0xE400] =	vst v63  }
0x8c: {  	_ =	swait.ge [sflag:s14], $0x1000  }
0x8d: {  	[sflag:s14] =	ssyncset.done $0x0  }
0x8e: {  	s8 =	sadd.s32 $0xFFFFFE00, s6;
	[sflag:s14] =	ssyncadd.s32 $0xFFFFF000  }
0x8f: {  	[tilespmem:s21], [sflag:$0x4] =	stream.indirect.gather [hbm4b:s3+s15], $0x20, s8, s15, $0xb8;
	[tilespmem:$0xE400] =	vst v63  }
0x90: {  	_ =	swait.ge [sflag:s22], $0x1000  }
0x91: {  	s8 =	rddreg [dreg:$0x7];
	[sflag:s22] =	ssyncset.done $0x0  }
0x92: {  	[sflag:s22] =	ssyncadd.s32 $0xFFFFF000;
	s8 =	sadd.s32 s7, s8  }
0x93: {  	[hbm4b:s8+s1] =	stream.strided.scatter [tilespmem:s23], [sflag:$0x9], $0x1000, s15, s1, $0x38;
	[tilespmem:$0xE400] =	vst v63  }
0x94: {  	_ =	swait.ge [sflag:s14], $0x1000  }
0x95: {  	[sflag:s14] =	ssyncset.done $0x0  }
0x96: {  	s8 =	sadd.s32 $0xFFFFFE80, s6;
	[sflag:s14] =	ssyncadd.s32 $0xFFFFF000  }
0x97: {  	[tilespmem:s23], [sflag:$0x5] =	stream.indirect.gather [hbm4b:s3+s15], $0x20, s8, s15, $0xb8;
	[tilespmem:$0xE400] =	vst v63  }
0x98: {  	_ =	swait.ge [sflag:s24], $0x1000  }
0x99: {  	s8 =	rddreg [dreg:$0x6];
	[sflag:s24] =	ssyncset.done $0x0  }
0x9a: {  	[sflag:s24] =	ssyncadd.s32 $0xFFFFF000;
	s8 =	sadd.s32 s7, s8  }
0x9b: {  	[hbm4b:s8+s1] =	stream.strided.scatter [tilespmem:s25], [sflag:$0x9], $0x1000, s15, s1, $0x38;
	[tilespmem:$0xE400] =	vst v63  }
0x9c: {  	_ =	swait.ge [sflag:s14], $0x1000  }
0x9d: {  	[sflag:s14] =	ssyncset.done $0x0  }
0x9e: {  	s8 =	sadd.s32 $0xFFFFFF00, s6;
	[sflag:s14] =	ssyncadd.s32 $0xFFFFF000  }
0x9f: {  	[tilespmem:s25], [sflag:$0x6] =	stream.indirect.gather [hbm4b:s3+s15], $0x20, s8, s15, $0xb8;
	[tilespmem:$0xE400] =	vst v63  }
0xa0: {  	_ =	swait.ge [sflag:s26], $0x1000  }
0xa1: {  	s8 =	rddreg [dreg:$0x5];
	[sflag:s26] =	ssyncset.done $0x0  }
0xa2: {  	[sflag:s26] =	ssyncadd.s32 $0xFFFFF000;
	s8 =	sadd.s32 s7, s8  }
0xa3: {  	[hbm4b:s8+s1] =	stream.strided.scatter [tilespmem:s28], [sflag:$0x9], $0x1000, s15, s1, $0x38;
	[tilespmem:$0xE400] =	vst v63  }
0xa4: {  	_ =	swait.ge [sflag:s14], $0x1000  }
0xa5: {  	[sflag:s14] =	ssyncset.done $0x0  }
0xa6: {  	s8 =	sadd.s32 $0xFFFFFF80, s6;
	[sflag:s14] =	ssyncadd.s32 $0xFFFFF000  }
0xa7: {  	[tilespmem:s28], [sflag:$0x7] =	stream.indirect.gather [hbm4b:s3+s15], $0x20, s8, s15, $0xb8;
	[tilespmem:$0xE400] =	vst v63  }
0xa8: {  	_ =	swait.ge [sflag:s29], $0x1000  }
0xa9: {  	p0 =	sne.s32 s5, $0x5C000;
	s8 =	rddreg [dreg:$0x4];
	[sflag:s29] =	ssyncset.done $0x0  }
.Ltmp0:
0xaa: {  	[sflag:s29] =	ssyncadd.s32 $0xFFFFF000;
	s7 =	sadd.s32 s7, s8;
	(pc) =	sbr.rel @p0 .LBB2_2-.Ltmp0, $4  }
0xab: {  	[hbm4b:s7+s1] =	stream.strided.scatter [tilespmem:s30], [sflag:$0x9], $0x1000, s15, s1, $0x38;
	[tilespmem:$0xE400] =	vst v63  }
0xac: {  	_ =	swait.ge [sflag:s14], $0x1000  }
0xad: {  	s4 =	smov.u32 s6;
	[sflag:s14] =	ssyncset.done $0x0  }
0xae: {  	s5 =	sadd.s32 $0x4000, s5;
	s6 =	sadd.s32 $0x400, s6;
	[sflag:s14] =	ssyncadd.s32 $0xFFFFF000  }
0xaf: {  	[tilespmem:s30], [sflag:$0x8] =	stream.indirect.gather [hbm4b:s3+s15], $0x20, s4, s15, $0xb8;
	[tilespmem:$0xE400] =	vst v63  }
0xb0: {  	_ =	swait.ge [sflag:s31], $0x1000  }
0xb1: {  	[sflag:s31] =	ssyncset.done $0x0  }
0xb2: {  	s5 =	rddreg [dreg:$0xc];
	[sflag:s31] =	ssyncadd.s32 $0xFFFFF000  }
0xb3: {  	[hbm4b:s5+s1] =	stream.strided.scatter [tilespmem:s16], [sflag:$0x9], $0x1000, s15, s1, $0x38;
	[tilespmem:$0xE400] =	vst v63  }
0xb4: {  	_ =	swait.ge [sflag:s14], $0x1000  }
0xb5: {  	[sflag:s14] =	ssyncset.done $0x0  }
0xb6: {  	[sflag:s14] =	ssyncadd.s32 $0xFFFFF000  }
0xb7: {  	_ =	swait.ge [sflag:s0], $0x1000  }
0xb8: {  	[sflag:s0] =	ssyncset.done $0x0  }
0xb9: {  	s6 =	rddreg [dreg:$0xd];
	[sflag:s0] =	ssyncadd.s32 $0xFFFFF000  }
0xba: {  	[hbm4b:s6+s1] =	stream.strided.scatter [tilespmem:s17], [sflag:$0x9], $0x1000, s15, s1, $0x38;
	[tilespmem:$0xE400] =	vst v63  }
0xbb: {  	_ =	swait.ge [sflag:s14], $0x1000  }
0xbc: {  	[sflag:s14] =	ssyncset.done $0x0  }
0xbd: {  	[sflag:s14] =	ssyncadd.s32 $0xFFFFF000  }
0xbe: {  	_ =	swait.ge [sflag:s18], $0x1000  }
0xbf: {  	[sflag:s18] =	ssyncset.done $0x0  }
0xc0: {  	s7 =	rddreg [dreg:$0xe];
	[sflag:s18] =	ssyncadd.s32 $0xFFFFF000  }
0xc1: {  	[hbm4b:s7+s1] =	stream.strided.scatter [tilespmem:s19], [sflag:$0x9], $0x1000, s15, s1, $0x38;
	[tilespmem:$0xE400] =	vst v63  }
0xc2: {  	_ =	swait.ge [sflag:s14], $0x1000  }
0xc3: {  	[sflag:s14] =	ssyncset.done $0x0  }
0xc4: {  	[sflag:s14] =	ssyncadd.s32 $0xFFFFF000  }
0xc5: {  	_ =	swait.ge [sflag:s20], $0x1000  }
0xc6: {  	[sflag:s20] =	ssyncset.done $0x0  }
0xc7: {  	s8 =	rddreg [dreg:$0xf];
	[sflag:s20] =	ssyncadd.s32 $0xFFFFF000  }
0xc8: {  	[hbm4b:s8+s1] =	stream.strided.scatter [tilespmem:s21], [sflag:$0x9], $0x1000, s15, s1, $0x38;
	[tilespmem:$0xE400] =	vst v63  }
0xc9: {  	_ =	swait.ge [sflag:s14], $0x1000  }
0xca: {  	[sflag:s14] =	ssyncset.done $0x0  }
0xcb: {  	[sflag:s14] =	ssyncadd.s32 $0xFFFFF000  }
0xcc: {  	_ =	swait.ge [sflag:s22], $0x1000  }
0xcd: {  	[sflag:s22] =	ssyncset.done $0x0  }
0xce: {  	[sflag:s22] =	ssyncadd.s32 $0xFFFFF000  }
0xcf: {  	[hbm4b:s9+s1] =	stream.strided.scatter [tilespmem:s23], [sflag:$0x9], $0x1000, s15, s1, $0x38;
	[tilespmem:$0xE400] =	vst v63  }
0xd0: {  	_ =	swait.ge [sflag:s14], $0x1000  }
0xd1: {  	[sflag:s14] =	ssyncset.done $0x0  }
0xd2: {  	[sflag:s14] =	ssyncadd.s32 $0xFFFFF000  }
0xd3: {  	_ =	swait.ge [sflag:s24], $0x1000  }
0xd4: {  	[sflag:s24] =	ssyncset.done $0x0  }
0xd5: {  	[sflag:s24] =	ssyncadd.s32 $0xFFFFF000  }
0xd6: {  	[hbm4b:s10+s1] =	stream.strided.scatter [tilespmem:s25], [sflag:$0x9], $0x1000, s15, s1, $0x38;
	[tilespmem:$0xE400] =	vst v63  }
0xd7: {  	_ =	swait.ge [sflag:s14], $0x1000  }
0xd8: {  	[sflag:s14] =	ssyncset.done $0x0  }
0xd9: {  	[sflag:s14] =	ssyncadd.s32 $0xFFFFF000  }
0xda: {  	_ =	swait.ge [sflag:s26], $0x1000  }
0xdb: {  	[sflag:s26] =	ssyncset.done $0x0  }
0xdc: {  	[sflag:s26] =	ssyncadd.s32 $0xFFFFF000  }
0xdd: {  	[hbm4b:s11+s1] =	stream.strided.scatter [tilespmem:s28], [sflag:$0x9], $0x1000, s15, s1, $0x38;
	[tilespmem:$0xE400] =	vst v63  }
0xde: {  	_ =	swait.ge [sflag:s14], $0x1000  }
0xdf: {  	[sflag:s14] =	ssyncset.done $0x0  }
0xe0: {  	[sflag:s14] =	ssyncadd.s32 $0xFFFFF000  }
0xe1: {  	s2 =	sadd.s32 $0x1, s2;
	_ =	swait.ge [sflag:s29], $0x1000  }
0xe2: {  	p0 =	sne.s32 s2, s13;
	[sflag:s29] =	ssyncset.done $0x0  }
.Ltmp1:
0xe3: {  	[sflag:s29] =	ssyncadd.s32 $0xFFFFF000;
	(pc) =	sbr.rel @p0 .LBB2_1-.Ltmp1, $4  }
0xe4: {  	[hbm4b:s12+s1] =	stream.strided.scatter [tilespmem:s30], [sflag:$0x9], $0x1000, s15, s1, $0x38;
	[tilespmem:$0xE400] =	vst v63  }
0xe5: {  	_ =	swait.ge [sflag:s14], $0x1000  }
0xe6: {  	[sflag:s14] =	ssyncset.done $0x0  }
0xe7: {  	[sflag:s14] =	ssyncadd.s32 $0xFFFFF000  }
0xe8: {  	_ =	sfence.sel $0x180000  }
0xe9: {  	[bflag:$0x0] =	sbarrier.arrive $0xFFFF  }
0xea: {  	_ =	strace $0x90000047  }
0xeb: {  	s0 =	stileid.u32;
	[bflag:$0x2] =	sbarrier.arrive $0xFFFF  }
0xec: {  	p0 =	sne.s32 s0, $0x0;
	s0 =	rddreg [dreg:$0x2]  }
0xed: {  	s0 =	sadd.s32 @!p0 $0x100000, s0  }
0xee: {  	[sflag:s0] =	ssyncadd.tile.s32 @!p0 $0x1;
	_ =	shalt  }
.Lfunc_end2:
_tile_overlayer_lowered:
.L_overlay_start_2:
0xef: {  	(tag) =	ssettag $0x2  }
0xf0: {  	s0 =	rddreg [dreg:$0x0];
	s2 =	stileid.u32  }
0xf1: {  	s1 =	rddreg [dreg:$0x1];
	p0 =	sne.s32 s2, $0x0  }
0xf2: {  	s3 =	rddreg [dreg:$0x2];
	[bflag:$0x3] =	sbarrier.arrive $0xFFFF;
	s2 =	simm.s32 @!p0 $0x1C09  }
0xf3: {  	[timem:s3], [sflag:s2] =	dma.local @!p0 [hbm:s0], s1  }
0xf4: {  	s0 =	simm.s32 @!p0 $0x9  }
0xf5: {  	_ =	swait.ge @!p0 [sflag:s0], s1  }
0xf6: {  	s1 =	ssub.s32 @!p0 $0x0, s1;
	[sflag:s0] =	ssyncset.done @!p0 $0x0  }
0xf7: {  	[sflag:s0] =	ssyncadd.s32 @!p0 s1  }
0xf8: {  	[bflag:$0x3] =	sbarrier.arrive $0xFFFF  }
0xf9: {  	_ =	shalt  }

// kernel: sparse-core-data-format-call.cloned.1.call-start
scs
called_computation_lowered:
.L_overlay_start_0:
0x0: {  	s2 =	sld [smem:$0x3FD9]  }
0x1: {  	s3 =	sld [smem:$0x3FFE];
	_ =	sdelay $0x1  }
0x2: {  	s1 =	srdreg.scid  }
0x3: {  	s0 =	sand.u32 $0x1, s1  }
0x4: {  	s18 =	sshll.u32 s0, $0xA;
	s2 =	sadd.s32 s3, s2  }
0x5: {  	s2 =	sadd.s32 s2, s18  }
0x6: {  	[smem:$0x3FC6] =	sst s2  }
0x7: {  	_ = 	snop  }
0x8: {  	s2 =	sld [smem:$0x3FD0];
	(tm) =	ssettm $0x1  }
0x9: {  	s19 =	sld [smem:$0x3FFB];
	_ =	sdelay $0x3  }
0xa: {  	_ =	strace s19  }
0xb: {  	s3 =	sld [smem:$0x3FFC];
	_ =	sdelay $0x3  }
0xc: {  	_ =	strace s3  }
0xd: {  	s3 =	sld [smem:$0x3FFD];
	_ =	sdelay $0x3  }
0xe: {  	_ =	strace s3  }
0xf: {  	_ =	strace $0x8FFFFFFF  }
0x10: {  	s20 =	sld [smem:$0x3FDB];
	_ =	sdelay $0x1  }
0x11: {  	s4 =	simm.s32 $_scs_section_size  }
0x12: {  	s5 =	simm.s32 $_size__tile_overlayer_lowered;
	s6 =	simm.s32 $_tile_overlayer_lowered  }
0x13: {  	s23 =	simm.s32 $0x1BFF;
	s22 =	sshll.u32 s6, $0x1;
	s3 =	sadd.s32 s4, s20  }
0x14: {  	s7 =	simm.s32 $0x0;
	s21 =	sshll.u32 s5, $0x1;
	s5 =	sadd.s32 s22, s3  }
0x15: {  	[timem:s7], [sflag:s23] =	dma.local [hbm:s5], s21  }
0x16: {  	_ =	swait.ge [sflag:s23], s21  }
0x17: {  	s4 =	ssub.s32 $0x0, s21;
	[sflag:s23] =	ssyncset.done $0x0  }
0x18: {  	[sflag:s23] =	ssyncadd.s32 s4;
	_ =	sdelay $0x1  }
0x19: {  	s24 =	simm.s32 $0x1B8B  }
0x1a: {  	_ =	swait.ge [sflag:s24], $0x1  }
0x1b: {  	[sflag:s24] =	ssyncset.done $0x0  }
0x1c: {  	s26 =	simm.s32 $0x1B8E;
	s25 =	sld [smem:$0x3FFE];
	[sflag:s24] =	ssyncadd.s32 $0xFFFFFFFF  }
0x1d: {  	s27 =	simm.s32 $execute0_lowered;
	[smem:$0x3FD2] =	sst s26  }
0x1e: {  	s5 =	sshll.u32 s27, $0x1;
	_ =	strace $0x80000049;
	[dreg:$0x1] =	wrdreg $0xFFFFFFFF  }
0x1f: {  	s28 =	simm.s32 $_size_execute0_lowered;
	s3 =	sadd.s32 s3, s5;
	[dreg:$0x0] =	wrdreg $0x0  }
0x20: {  	s5 =	sshll.u32 s28, $0x1;
	[dreg:$0x2] =	wrdreg s3  }
0x21: {  	[dreg:$0x3] =	wrdreg s5  }
0x22: {  	[dreg:$0x4] =	wrdreg $0xC0  }
0x23: {  	_ =	task [dreg:s7], $0x5FFFF  }
0x24: {  	[dreg:$0x1] =	wrdreg $0xFFFFFFFF  }
0x25: {  	[dreg:$0x0] =	wrdreg $0x60  }
0x26: {  	[dreg:$0x2] =	wrdreg s25  }
0x27: {  	[dreg:$0x3] =	wrdreg s2  }
0x28: {  	[dreg:$0x4] =	wrdreg $0x9  }
0x29: {  	_ =	task.clear_ibuf [dreg:s7], $0x5FFFF;
	_ =	strace $0x90000049  }
0x2a: {  	s29 =	simm.s32 $0x9;
	_ =	strace $0x8000004B  }
0x2b: {  	_ =	swait.ge [sflag:s29], $0x1  }
0x2c: {  	[sflag:s29] =	ssyncadd.s32 $0xFFFFFFFF  }
0x2d: {  	_ =	strace $0x9000004B  }
0x2e: {  	_ =	sfence  }
0x2f: {  	s30 =	sld [smem:$0x0];
	_ =	sdelay $0x2  }
0x30: {  	s31 =	sshll.u32 s1, $0xD;
	s1 =	sshrl.u32 s1, $0x2  }
0x31: {  	s3 =	sand.u32 $0x4000, s31;
	s1 =	sadd.s32 s1, s30  }
0x32: {  	s0 =	sor.u32 s3, s0;
	s1 =	sshll.u32 s1, $0x11  }
0x33: {  	s0 =	sor.u32 s1, s0  }
0x34: {  	s0 =	sadd.s32 $0x8F2B, s0  }
0x35: {  	[sflag:s0] =	ssyncadd.remote.s32 $0x1  }
0x36: {  	_ =	sfence.sel $0xFFFF  }
0x37: {  	[dreg:$0x0] =	wrdreg $0xFFFFFFFF;
	(pc) =	sbr.abs _section_cstart, $3  }
0x38: {  	[dreg:$0x1] =	wrdreg $0xFFFFFFFF  }
0x39: {  	_ =	task.clear_ibuf [dreg:s7], $0x2FFFF;
	_ =	strace $0x9FFFFFFF  }
0x3a: {  	(tm) =	ssettm $0x7FFFFFFF  }
0x3b: {  	_ =	shalt  }
tec
execute0_lowered:
.L_overlay_start_1:
0x0: {  	(tag) =	ssettag $0x1  }
0x1: {  	s0 =	srdreg.scid  }
0x2: {  	s1 =	sshll.u32 s0, $0x4  }
0x3: {  	s0 =	stileid.u32;
	s1 =	sand.u32 $0x10, s1  }
0x4: {  	s1 =	sor.u32 s0, s1  }
0x5: {  	s6 =	rddreg [dreg:$0x0];
	s4 =	simm.s32 $0x1;
	s2 =	sshll.u32 s1, $0x7  }
0x6: {  	s7 =	simm.s32 $0x2;
	s12 =	simm.s32 $0x0;
	s1 =	ssub.s32 $0x1000, s2  }
0x7: {  	s8 =	simm.s32 $0x8000;
	s13 =	simm.s32 $0x0;
	s3 =	sand.u32 $0xF80, s1  }
0x8: {  	s9 =	simm.s32 $0x0;
	s5 =	sshrl.u32 s1, $0xC;
	p0 =	sne.s32 s3, $0x0  }
.Ltmp0:
0x9: {  	s1 =	rddreg [dreg:$0x2];
	s4 =	simm.s32 @!p0 $0x0;
	(pc) =	sbr.rel .LBB1_1-.Ltmp0, $4  }
0xa: {  	s11 =	simm.s32 $0x0;
	s3 =	rddreg [dreg:$0x1];
	s5 =	sadd.s32 s4, s5  }
0xb: {  	_ =	strace $0x8000004A;
	s4 =	simm.s32 $0x1;
	s5 =	smul.u32 $0xC8, s5  }
0xc: {  	s6 =	sadd.s32 $0xA00, s6;
	s10 =	smov.u32 s2;
	[sflag:s4] =	ssyncpa.u1 $0x0  }
0xd: {  	p0 =	por $0x0, $0x0;
	[sflag:s7] =	ssyncpa.u1 $0x0;
	s7 =	sor.u32 $0x1, s5  }
.LBB1_4:
0xe: {  	s16 =	sshll.u32 s13, $0x3;
	s17 =	sand.u32 $0x78, s13  }
0xf: {  	s30 =	sand.u32 $0x3E00, s13;
	s12 =	sshll.u32 s12, $0xE;
	s16 =	sand.u32 $0xC00, s16  }
0x10: {  	s31 =	sand.u32 $0x7, s13;
	s16 =	sor.u32 s17, s16;
	s17 =	sadd.s32 s3, s30  }
0x11: {  	s13 =	sshll.u32 s31, $0x12;
	s16 =	sshrl.u32 s16, $0x3;
	s12 =	sadd.s32 s12, s17  }
0x12: {  	[tilespmem:s15+$0x0 ss:$0x81] =	vst.msk $0xffff, v0;
	s13 =	sor.u32 $0x400, s13;
	s12 =	sadd.s32 s16, s12  }
0x13: {  	[hbm4b:s12+s13] =	stream.strided.scatter [tilespmem:s14], [sflag:$0x2], $0x1000, s8, s13, $0x20;
	[tilespmem:$0x4040] =	vst v63  }
.LBB1_5:
0x14: {  	s14 =	sadd.s32 $0x1, s9  }
0x15: {  	s12 =	sadd.s32 $0x1000, s10;
	s16 =	smov.u32 s10;
	p2 =	sgt.s32 s14, $0xC7  }
0x16: {  	s16 =	smov.u32 @p2 s12  }
0x17: {  	s14 =	simm.s32 @p2 $0x0;
	p2 =	sgt.s32 s16, $0xFFF  }
0x18: {  	s16 =	smov.u32 @p2 s2;
	p2 =	sne.s32 s11, s7  }
.Ltmp1:
0x19: {  	p1 =	slt.u32 s11, $0x2;
	(pc) =	sbr.rel @!p2 .LBB1_6-.Ltmp1, $4  }
0x1a: {  	s15 =	simm.s32 @!p1 $0x2  }
0x1b: {  	s13 =	smov.u32 s10;
	p0 =	por !p0, !p0;
	_ =	swait.ge @!p1 [sflag:s15], $0x1000  }
0x1c: {  	s12 =	smov.u32 s9;
	[sflag:s15] =	ssyncset.done @!p1 $0x0;
	s9 =	smov.u32 s14  }
0x1d: {  	s11 =	sadd.s32 $0x1, s11;
	[sflag:s15] =	ssyncadd.s32 @!p1 $0xFFFFF000;
	s10 =	smov.u32 s16  }
.LBB1_1:
0x1e: {  	p1 =	sge.u32 s11, s5  }
0x1f: {  	s14 =	sand.u32 @!p1 $0x1FFFFFF, s9  }
0x20: {  	s15 =	smulhi.u32 @!p1 $0x147AE15, s14;
	_ =	sdelay $0x1  }
0x21: {  	s15 =	smul.u32 @!p1 $0xC8, s15  }
0x22: {  	s16 =	sxor.u32 @!p1 $0xFFFFFFFF, s11;
	s17 =	smul.u32 @!p1 $0xC80, s10  }
0x23: {  	s31 =	sadd.s32 $0xFFFFFFFF, s11;
	s16 =	sshll.u32 @!p1 s16, $0xC;
	s14 =	ssub.s32 @!p1 s14, s15  }
0x24: {  	s15 =	sand.u32 @!p1 $0x1000, s16;
	s16 =	sadd.s32 @!p1 s6, s17;
	s14 =	sshll.u32 @!p1 s14, $0x4  }
0x25: {  	s17 =	simm.s32 @!p1 $0x6400;
	s14 =	sadd.s32 @!p1 s14, s16;
	s16 =	simm.s32 @!p1 $0x20  }
0x26: {  	[tilespmem:s15], [sflag:$0x1] =	stream.strided.gather @!p1 [hbm4b:s14+s16], $0x1000, s17, s16, $0x38;
	[tilespmem:$0x4040] =	vst v63  }
0x27: {  	p1 =	sge.u32 s31, s5  }
.Ltmp2:
0x28: {  	_ = 	snop;
	(pc) =	sbr.rel @p1 .LBB1_5-.Ltmp2, $1  }
0x29: {  	_ =	sdelay $0x3  }
0x2a: {  	s14 =	simm.s32 $0x1  }
0x2b: {  	_ =	swait.ge [sflag:s4], $0x1000;
	s14 =	simm.s32 @!p0 $0x0  }
0x2c: {  	[sflag:s4] =	ssyncset.done $0x0;
	s15 =	sshll.u32 s14, $0xC  }
0x2d: {  	[sflag:s4] =	ssyncadd.s32 $0xFFFFF000;
	s18 =	sor.u32 $0x10, s15  }
0x2e: {  	s14 =	smul.u32 $0x4080, s14;
	v1 =	vld [tilespmem:s18+$0x0]  }
0x2f: {  	s30 =	sand.u32 $0x1, s11;
	v0 =	vld [tilespmem:s18+$0xFFFFFFF0]  }
0x30: {  	s15 =	smul.u32 $0x4080, s30;
	s14 =	sshrl.u32 s14, $0x2  }
0x31: {  	s16 =	sor.u32 $0x2000, s14  }
0x32: {  	s31 =	sshrl.u32 s15, $0x2;
	s15 =	sadd.s32 $0x0, s16  }
0x33: {  	s17 =	simm.s32 $0x4;
	s18 =	sadd.s32 $0x20, s18;
	s14 =	sor.u32 $0x2000, s31;
	[tilespmem:s15+$0x810 ss:$0x81] =	vst.msk $0xffff, v1  }
.LBB1_3:
0x34: {  	v1 =	vld [tilespmem:s18+$0x0];
	p1 =	sne.s32 s17, $0x1FC;
	[tilespmem:s15+$0x0 ss:$0x81] =	vst.msk $0xffff, v0;
	s15 =	smov.u32 s17;
	s17 =	sadd.s32 $0x4, s17  }
.Ltmp3:
0x35: {  	v0 =	vld [tilespmem:s18+$0xFFFFFFF0];
	(pc) =	sbr.rel @p1 .LBB1_3-.Ltmp3, $4  }
0x36: {  	_ = 	snop  }
0x37: {  	s15 =	sshra.s32 s15, $0x2  }
0x38: {  	s15 =	sadd.s32 s15, s16  }
0x39: {  	s18 =	sadd.s32 $0x20, s18;
	[tilespmem:s15+$0x810 ss:$0x81] =	vst.msk $0xffff, v1  }
.Ltmp4:
0x3a: {  	_ = 	snop;
	(pc) =	sbr.rel .LBB1_4-.Ltmp4, $1  }
0x3b: {  	_ =	sdelay $0x3  }
.LBB1_6:
0x3c: {  	_ =	sfence.sel $0x180000  }
0x3d: {  	s2 =	simm.s32 $0x1;
	[bflag:$0x0] =	sbarrier.arrive $0xFFFF  }
0x3e: {  	s31 =	simm.s32 $0x2;
	[sflag:s2] =	ssyncpa.u1 $0x1  }
0x3f: {  	[sflag:s31] =	ssyncpa.u1 $0x1  }
0x40: {  	p0 =	sne.s32 s0, $0x0;
	_ =	strace $0x9000004A  }
0x41: {  	s0 =	sadd.s32 @!p0 $0x100000, s1;
	[bflag:$0x2] =	sbarrier.arrive $0xFFFF  }
0x42: {  	[sflag:s0] =	ssyncadd.tile.s32 @!p0 $0x1;
	_ =	shalt  }
.Lfunc_end1:
_tile_overlayer_lowered:
.L_overlay_start_2:
0x43: {  	(tag) =	ssettag $0x2  }
0x44: {  	s0 =	rddreg [dreg:$0x0];
	s2 =	stileid.u32  }
0x45: {  	s1 =	rddreg [dreg:$0x1];
	p0 =	sne.s32 s2, $0x0  }
0x46: {  	s3 =	rddreg [dreg:$0x2];
	[bflag:$0x3] =	sbarrier.arrive $0xFFFF;
	s2 =	simm.s32 @!p0 $0x1C01  }
0x47: {  	[timem:s3], [sflag:s2] =	dma.local @!p0 [hbm:s0], s1  }
0x48: {  	s0 =	simm.s32 @!p0 $0x1  }
0x49: {  	_ =	swait.ge @!p0 [sflag:s0], s1  }
0x4a: {  	s1 =	ssub.s32 @!p0 $0x0, s1;
	[sflag:s0] =	ssyncset.done @!p0 $0x0  }
0x4b: {  	[sflag:s0] =	ssyncadd.s32 @!p0 s1  }
0x4c: {  	[bflag:$0x3] =	sbarrier.arrive $0xFFFF  }
0x4d: {  	_ =	shalt  }

</sc_bundles>
